<compile_context>
chip_gen: v7x
topology: tpu7x:2x2x1
jax: 0.10.2.dev20260603
libtpu: 0.0.44.dev20260713+nightly
codegen_flags: <defaults>
</compile_context>

<pallas_src>
import functools

import jax
import jax.numpy as jnp
from jax import lax
from jax.experimental import pallas as pl
from jax.experimental.pallas import tpu as pltpu
from jax.experimental.pallas import tpu_sc as plsc

_R = 5
_NU = 10000
_NV = 1000
_D = 128
_H0 = 64
_H1 = 32
_BU = 4096
_BV = 1000
_KP = 1024

_NC = 2
_NS = 16
_NW = _NC * _NS
_GR_W = _BU // _NW
_CHUNK = 32
_NCHUNK = _GR_W // _CHUNK
_BVP = 1024
_VE_W = _BVP // _NW

_BUC = 400
_BLK = 256
_NB = _BU // _BLK


def _compress_body(ratings_ref, code_ref):
    acc = ratings_ref[0]
    for r in range(1, _R):
        acc = acc + float(r + 1) * ratings_ref[r]
    code_ref[...] = jnp.zeros((_BUC, _KP), jnp.float32)
    code_ref[:, : _NV] = acc


def _compress_call(ratings):
    n = _NU // _BUC
    return pl.pallas_call(
        _compress_body,
        grid=(n,),
        in_specs=[pl.BlockSpec((_R, _BUC, _NV), lambda i: (0, i, 0))],
        out_specs=pl.BlockSpec((_BUC, _KP), lambda i: (i, 0)),
        out_shape=jax.ShapeDtypeStruct((_NU, _KP), jnp.float32),
        compiler_params=pltpu.CompilerParams(
            dimension_semantics=("parallel",)),
    )(ratings)


def _sc_gather_body(code, u2, v2, u_table, v_table,
                    gc_out, ue_out, ve_out,
                    uidx, vidx, rows_a, rows_b, erows, vrows,
                    sem_a, sem_b, sem_e):
    wid = lax.axis_index("s") * _NC + lax.axis_index("c")
    base = wid * _GR_W

    pltpu.sync_copy(u2.at[wid], uidx)

    pltpu.async_copy(u_table.at[uidx], erows, sem_e).wait()
    pltpu.sync_copy(erows, ue_out.at[pl.ds(base, _GR_W)])

    pltpu.sync_copy(v2.at[wid], vidx)
    pltpu.async_copy(v_table.at[vidx], vrows, sem_e).wait()
    pltpu.sync_copy(vrows, ve_out.at[pl.ds(wid * _VE_W, _VE_W)])

    bufs = (rows_a, rows_b)
    sems = (sem_a, sem_b)
    handles = [None, None]
    handles[0] = pltpu.async_copy(
        code.at[uidx.at[pl.ds(0, _CHUNK)]], rows_a, sem_a)
    for c in range(_NCHUNK):
        if c + 1 < _NCHUNK:
            handles[(c + 1) % 2] = pltpu.async_copy(
                code.at[uidx.at[pl.ds((c + 1) * _CHUNK, _CHUNK)]],
                bufs[(c + 1) % 2], sems[(c + 1) % 2])
        handles[c % 2].wait()
        pltpu.sync_copy(bufs[c % 2],
                        gc_out.at[pl.ds(base + c * _CHUNK, _CHUNK)])


_sc_gather = functools.partial(
    pl.kernel,
    mesh=plsc.VectorSubcoreMesh(core_axis_name="c", subcore_axis_name="s"),
    out_type=[
        jax.ShapeDtypeStruct((_BU, _KP), jnp.float32),
        jax.ShapeDtypeStruct((_BU, _D), jnp.float32),
        jax.ShapeDtypeStruct((_BVP, _D), jnp.float32),
    ],
    scratch_types=[
        pltpu.VMEM((_GR_W,), jnp.int32),
        pltpu.VMEM((_VE_W,), jnp.int32),
        pltpu.VMEM((_CHUNK, _KP), jnp.float32),
        pltpu.VMEM((_CHUNK, _KP), jnp.float32),
        pltpu.VMEM((_GR_W, _D), jnp.float32),
        pltpu.VMEM((_VE_W, _D), jnp.float32),
        pltpu.SemaphoreType.DMA,
        pltpu.SemaphoreType.DMA,
        pltpu.SemaphoreType.DMA,
    ],
)(_sc_gather_body)


def _main_body(gc_ref, ue_ref, vemb_ref, gclW_ref, v_ref, dW_ref, db_ref,
               gclb_ref, bw_ref,
               mhat_ref, loss_ref, acc_ref,
               bv_s, cnt_s, msgu_s, di_s, cs_s, tv_s, tcode_s, uh_s, vh_s,
               sacc):
    i = pl.program_id(0)

    @pl.when(i == 0)
    def _prep():
        kio = lax.broadcasted_iota(jnp.int32, (_KP, _BV), 0)
        G = (kio == v_ref[...]).astype(jnp.float32)
        cnt_s[...] = jnp.sum(G, axis=1, keepdims=True)
        ve = vemb_ref[...]
        for r in range(_R):
            sv = jnp.dot(ve, gclW_ref[r], preferred_element_type=jnp.float32)
            bv_s[r] = jnp.dot(G, sv, preferred_element_type=jnp.float32)

    @pl.when(i < _NB)
    def _agg():
        ue = ue_ref[...]
        gc = gc_ref[...]
        acc_msg = jnp.zeros((_BLK, _H0), jnp.float32)
        acc_di = jnp.zeros((_BLK, 1), jnp.float32)
        acc_cs = jnp.zeros((1, _KP), jnp.float32)
        acc_tv = jnp.zeros((_KP, _H0), jnp.float32)
        cnt_col = cnt_s[...]
        for r in range(_R):
            Rr = (gc == float(r + 1)).astype(jnp.float32)
            su = jnp.dot(ue, gclW_ref[r], preferred_element_type=jnp.float32)
            acc_msg = acc_msg + jnp.dot(Rr, bv_s[r],
                                        preferred_element_type=jnp.float32)
            acc_di = acc_di + jnp.dot(Rr, cnt_col,
                                      preferred_element_type=jnp.float32)
            acc_cs = acc_cs + jnp.sum(Rr, axis=0, keepdims=True)
            acc_tv = acc_tv + lax.dot_general(
                Rr, su, (((0,), (0,)), ((), ())),
                preferred_element_type=jnp.float32)

        kio = lax.broadcasted_iota(jnp.int32, (_KP, _BV), 0)
        Gb = (kio == v_ref[...]).astype(jnp.bfloat16)
        tcode = lax.dot_general(
            gc.astype(jnp.bfloat16), Gb, (((1,), (0,)), ((), ())),
            preferred_element_type=jnp.float32)
        tcode_s[pl.ds(i * _BLK, _BLK)] = tcode.astype(jnp.bfloat16)
        msgu_s[pl.ds(i * _BLK, _BLK)] = acc_msg
        di_s[pl.ds(i * _BLK, _BLK)] = acc_di

        @pl.when(i == 0)
        def _():
            cs_s[...] = acc_cs
            tv_s[...] = acc_tv

        @pl.when(i != 0)
        def _():
            cs_s[...] = cs_s[...] + acc_cs
            tv_s[...] = tv_s[...] + acc_tv

    @pl.when(i >= _NB)
    def _decode():
        j = i - _NB

        @pl.when(j == 0)
        def _hidden():
            kio = lax.broadcasted_iota(jnp.int32, (_KP, _BV), 0)
            G = (kio == v_ref[...]).astype(jnp.float32)
            du = lax.dot_general(G, cs_s[...], (((0,), (1,)), ((), ())),
                                 preferred_element_type=jnp.float32)
            msgv = lax.dot_general(G, tv_s[...], (((0,), (0,)), ((), ())),
                                   preferred_element_type=jnp.float32)
            deg = jnp.concatenate([du, di_s[...]], axis=0)
            c = jnp.where(deg > 0, 1.0 / jnp.where(deg > 0, deg, 1.0), 0.0)
            cu = c[:_BU]
            ci = c[_BU:]
            bsum = jnp.sum(gclb_ref[...], axis=0, keepdims=True)
            zu = jnp.maximum(msgu_s[...] * cu + bsum, 0.0)
            zv = jnp.maximum(msgv * ci + bsum, 0.0)
            dW = dW_ref[...]
            db = db_ref[...]
            uh_s[...] = jax.nn.sigmoid(
                jnp.dot(zu, dW, preferred_element_type=jnp.float32) + db)
            vh_s[...] = jax.nn.sigmoid(
                jnp.dot(zv, dW, preferred_element_type=jnp.float32) + db)

        uh = uh_s[pl.ds(j * _BLK, _BLK)]
        vh = vh_s[...]
        Os = []
        for r in range(_R):
            A = jnp.dot(uh, bw_ref[r], preferred_element_type=jnp.float32)
            Os.append(lax.dot_general(A, vh, (((1,), (1,)), ((), ())),
                                      preferred_element_type=jnp.float32))
        mx = Os[0]
        for r in range(1, _R):
            mx = jnp.maximum(mx, Os[r])
        es = [jnp.exp(o - mx) for o in Os]
        se = es[0]
        for r in range(1, _R):
            se = se + es[r]
        num = jnp.zeros_like(se)
        for r in range(1, _R):
            num = num + float(r) * es[r]
        mhat_ref[...] = num / se

        tc = tcode_s[pl.ds(j * _BLK, _BLK)].astype(jnp.float32)
        obs = tc > 0.5
        ot = jnp.zeros_like(mx)
        for r in range(_R):
            ot = jnp.where(tc == float(r + 1), Os[r], ot)
        lterm = jnp.where(obs, mx + jnp.log(se) - ot, 0.0)

        pbest = Os[0]
        pcls = jnp.zeros_like(mx)
        for r in range(1, _R):
            gt = Os[r] > pbest
            pbest = jnp.where(gt, Os[r], pbest)
            pcls = jnp.where(gt, float(r), pcls)
        corr = jnp.where(obs & (pcls == (tc - 1.0)), 1.0, 0.0)

        ls = jnp.sum(lterm)
        nb = jnp.sum(jnp.where(obs, 1.0, 0.0))
        cr = jnp.sum(corr)

        @pl.when(j == 0)
        def _():
            sacc[0] = ls
            sacc[1] = nb
            sacc[2] = cr

        @pl.when(j != 0)
        def _():
            sacc[0] = sacc[0] + ls
            sacc[1] = sacc[1] + nb
            sacc[2] = sacc[2] + cr

        @pl.when(j == _NB - 1)
        def _():
            nbm = jnp.maximum(sacc[1], 1.0)
            loss_ref[...] = jnp.broadcast_to(sacc[0] / nbm, (1, 1))
            acc_ref[...] = jnp.broadcast_to(sacc[2] / nbm, (1, 1))


def _main_call(gcode, uemb, vemb, gcl_W, v_row, dense_W, db_row, gcl_b,
               bilin_W):
    return pl.pallas_call(
        _main_body,
        grid=(2 * _NB,),
        in_specs=[
            pl.BlockSpec((_BLK, _KP), lambda i: (jnp.minimum(i, _NB - 1), 0)),
            pl.BlockSpec((_BLK, _D), lambda i: (jnp.minimum(i, _NB - 1), 0)),
            pl.BlockSpec((_NV, _D), lambda i: (0, 0)),
            pl.BlockSpec((_R, _D, _H0), lambda i: (0, 0, 0)),
            pl.BlockSpec((1, _BV), lambda i: (0, 0)),
            pl.BlockSpec((_H0, _H1), lambda i: (0, 0)),
            pl.BlockSpec((1, _H1), lambda i: (0, 0)),
            pl.BlockSpec((_R, _H0), lambda i: (0, 0)),
            pl.BlockSpec((_R, _H1, _H1), lambda i: (0, 0, 0)),
        ],
        out_specs=[
            pl.BlockSpec((_BLK, _BV), lambda i: (jnp.maximum(i - _NB, 0), 0)),
            pl.BlockSpec((1, 1), lambda i: (0, 0)),
            pl.BlockSpec((1, 1), lambda i: (0, 0)),
        ],
        out_shape=[
            jax.ShapeDtypeStruct((_BU, _BV), jnp.float32),
            jax.ShapeDtypeStruct((1, 1), jnp.float32),
            jax.ShapeDtypeStruct((1, 1), jnp.float32),
        ],
        scratch_shapes=[
            pltpu.VMEM((_R, _KP, _H0), jnp.float32),
            pltpu.VMEM((_KP, 1), jnp.float32),
            pltpu.VMEM((_BU, _H0), jnp.float32),
            pltpu.VMEM((_BU, 1), jnp.float32),
            pltpu.VMEM((1, _KP), jnp.float32),
            pltpu.VMEM((_KP, _H0), jnp.float32),
            pltpu.VMEM((_BU, _BV), jnp.bfloat16),
            pltpu.VMEM((_BU, _H1), jnp.float32),
            pltpu.VMEM((_NV, _H1), jnp.float32),
            pltpu.SMEM((3,), jnp.float32),
        ],
        compiler_params=pltpu.CompilerParams(
            dimension_semantics=("arbitrary",)),
    )(gcode, uemb, vemb, gcl_W, v_row, dense_W, db_row, gcl_b, bilin_W)


def kernel(u, v, u_table, v_table, gcl_W, gcl_b, dense_W, dense_b, bilin_W,
           ratings):
    u = u.astype(jnp.int32)
    v = v.astype(jnp.int32)
    u2 = u.reshape(_NW, _GR_W)
    v2 = jnp.concatenate([v, jnp.zeros((_BVP - _BV,), jnp.int32)]
                         ).reshape(_NW, _VE_W)

    code = _compress_call(ratings)
    gcode, uemb, vemb_p = _sc_gather(code, u2, v2, u_table, v_table)
    vemb = vemb_p[:_NV]
    v_row = v.reshape(1, _BV)

    mhat, loss, acc = _main_call(gcode, uemb, vemb, gcl_W, v_row, dense_W,
                                 dense_b.reshape(1, _H1), gcl_b, bilin_W)
    return mhat, loss[0, 0], acc[0, 0]

# --- scband reference (transcript-rebuilt; emitter-appended) ---
"""Pipeline reference for scband-gae-11785390260515 (READ-ONLY COPY).

The authoritative reference and input builder live on the scoring server;
editing this copy changes nothing except your own understanding.
"""

import jax, jax.numpy as jnp
import numpy as np

NUM_USERS = 10000
NUM_ITEMS = 1000
NUM_CLASSES = 5
INPUT_DIM = 128
H0, H1 = 64, 32
BU, BV = 4096, 1000


def setup_inputs(seed: int = 0):
    key = jax.random.key(seed)
    ks = jax.random.split(key, 12)
    u = jax.random.randint(ks[0], (BU,), 0, NUM_USERS)
    v = jax.random.randint(ks[1], (BV,), 0, NUM_ITEMS)
    u_table = jax.random.normal(ks[2], (NUM_USERS, INPUT_DIM), jnp.float32) * 0.1
    v_table = jax.random.normal(ks[3], (NUM_ITEMS, INPUT_DIM), jnp.float32) * 0.1
    gcl_W = jax.random.normal(ks[4], (NUM_CLASSES, INPUT_DIM, H0), jnp.float32) * (1.0 / np.sqrt(INPUT_DIM))
    gcl_b = jnp.zeros((NUM_CLASSES, H0), jnp.float32)
    dense_W = jax.random.normal(ks[5], (H0, H1), jnp.float32) * (1.0 / np.sqrt(H0))
    dense_b = jnp.zeros((H1,), jnp.float32)
    bilin_W = jax.random.normal(ks[6], (NUM_CLASSES, H1, H1), jnp.float32) * (1.0 / np.sqrt(H1))
    cls = jax.random.randint(ks[7], (NUM_USERS, NUM_ITEMS), 0, NUM_CLASSES)
    mask = (jax.random.uniform(ks[8], (NUM_USERS, NUM_ITEMS)) < 0.05).astype(jnp.float32)
    ratings = jnp.transpose(jax.nn.one_hot(cls, NUM_CLASSES, dtype=jnp.float32), (2, 0, 1)) * mask[None]
    return {"u": u, "v": v, "u_table": u_table, "v_table": v_table,
            "gcl_W": gcl_W, "gcl_b": gcl_b, "dense_W": dense_W, "dense_b": dense_b,
            "bilin_W": bilin_W, "ratings": ratings}


def _gae_forward(u_emb, v_emb, m, gcl_W, gcl_b, dense_W, dense_b, bilin_W):
    U = u_emb.shape[0]
    # normalization constants (as written in torch: c = 1/cat(du, di))
    du = jnp.abs(jnp.sum(jnp.sum(m, axis=1), axis=0))  # [V]
    di = jnp.abs(jnp.sum(jnp.sum(m, axis=2), axis=0))  # [U]
    deg = jnp.concatenate([du, di], axis=0)
    c = jnp.where(deg > 0, 1.0 / jnp.where(deg > 0, deg, 1.0), 0.0)
    x = jnp.concatenate([u_emb, v_emb], axis=0)  # [U+V, d]
    z = jnp.zeros((x.shape[0], gcl_W.shape[2]), jnp.float32)
    for r in range(NUM_CLASSES):
        support = x @ gcl_W[r]           # [U+V, H0]
        adj = m[r]                        # [U, V]
        msg_u = adj @ support[U:]         # users gather from items
        msg_v = adj.T @ support[:U]       # items gather from users
        z = z + jnp.concatenate([msg_u, msg_v], axis=0) * c[:, None] + gcl_b[r]
    z = jax.nn.relu(z)
    hidden = jax.nn.sigmoid(z @ dense_W + dense_b)
    uh, vh = hidden[:U], hidden[U:]
    outs = []
    for r in range(NUM_CLASSES):
        outs.append((uh @ bilin_W[r]) @ vh.T)  # [U, V]
    outputs = jnp.stack(outs, axis=0)  # [R, U, V]
    probs = jax.nn.softmax(outputs, axis=0)
    m_hat = jnp.sum(probs * jnp.arange(NUM_CLASSES, dtype=jnp.float32)[:, None, None], axis=0)
    logp = jax.nn.log_softmax(outputs, axis=0)
    nobs = jnp.maximum(jnp.sum(m), 1.0)
    loss = -jnp.sum(m * logp) / nobs
    pred = jnp.argmax(outputs, axis=0)
    true = jnp.argmax(m, axis=0)
    obs = jnp.sum(m, axis=0) > 0
    acc = jnp.sum(jnp.where(obs, (pred == true).astype(jnp.float32), 0.0)) / jnp.maximum(jnp.sum(obs.astype(jnp.float32)), 1.0)
    return m_hat, loss, acc


def reference(u, v, u_table, v_table, gcl_W, gcl_b, dense_W, dense_b, bilin_W, ratings):
    m = ratings[:, u][:, :, v]  # index_select on users then items -> [R, BU, BV]
    u_emb = jnp.take(u_table, u, axis=0)
    v_emb = jnp.take(v_table, v, axis=0)
    return _gae_forward(u_emb, v_emb, m, gcl_W, gcl_b, dense_W, dense_b, bilin_W)

if __name__ == "__main__":
    import jax
    _d = setup_inputs()
    print(jax.jit(kernel)(*tuple(_d.values())))

</pallas_src>

<mosaic_0001>
#map = affine_map<(d0, d1) -> (0, 0)>
module attributes {stable_mosaic.version = 14 : i64} {
  func.func @_sc_gather_body(%arg0: i32, %arg1: i32, %arg2: memref<10000x1024xf32, #tpu.memory_space<hbm>>, %arg3: memref<32x128xi32, #tpu.memory_space<hbm>>, %arg4: memref<32x32xi32, #tpu.memory_space<hbm>>, %arg5: memref<10000x128xf32, #tpu.memory_space<hbm>>, %arg6: memref<1000x128xf32, #tpu.memory_space<hbm>>, %arg7: memref<4096x1024xf32, #tpu.memory_space<hbm>>, %arg8: memref<4096x128xf32, #tpu.memory_space<hbm>>, %arg9: memref<1024x128xf32, #tpu.memory_space<hbm>>, %arg10: memref<128xi32, #tpu.memory_space<vmem>>, %arg11: memref<32xi32, #tpu.memory_space<vmem>>, %arg12: memref<32x1024xf32, #tpu.memory_space<vmem>>, %arg13: memref<32x1024xf32, #tpu.memory_space<vmem>>, %arg14: memref<128x128xf32, #tpu.memory_space<vmem>>, %arg15: memref<32x128xf32, #tpu.memory_space<vmem>>, %arg16: memref<!tpu.dma_semaphore, #tpu.memory_space<semaphore_mem>>, %arg17: memref<!tpu.dma_semaphore, #tpu.memory_space<semaphore_mem>>, %arg18: memref<!tpu.dma_semaphore, #tpu.memory_space<semaphore_mem>>) attributes {dimension_semantics = [#tpu.dimension_semantics<core_parallel>, #tpu.dimension_semantics<subcore_parallel>], iteration_bounds = array<i64: 2, 16>, scalar_prefetch = 0 : i64, scratch_operands = 9 : i64, tpu.core_type = #tpu.core_type<sc_vector_subcore>, window_params = [{transform_indices = #map}, {transform_indices = #map}, {transform_indices = #map}, {transform_indices = #map}, {transform_indices = #map}, {transform_indices = #map}, {transform_indices = #map}, {transform_indices = #map}]} {
    %mul3A = arith.constant 2 : i32
    %mul3A_0 = arith.muli %arg1, %mul3A : i32
    %add3A = arith.addi %mul3A_0, %arg0 : i32
    %mul3A_1 = arith.constant 128 : i32
    %mul3A_2 = arith.muli %add3A, %mul3A_1 : i32
    "tpu.region"() ({
      %run_scoped3A = tpu.sem_alloc : memref<!tpu.dma_semaphore, #tpu.memory_space<semaphore_mem>>
      %dma_start3A_63 = arith.constant 0 : i32
      %dma_start3A_64 = tpu.memref_slice %arg3[%add3A, %dma_start3A_63] : memref<32x128xi32, #tpu.memory_space<hbm>> -> memref<1x128xi32, #tpu.memory_space<hbm>>
      %dma_start3A_65 = tpu.memref_squeeze %dma_start3A_64 : memref<1x128xi32, #tpu.memory_space<hbm>> -> memref<128xi32, #tpu.memory_space<hbm>>
      %dma_start3A_66 = arith.constant 0 : i32
      %dma_start3A_67 = tpu.memref_slice %arg3[%add3A, %dma_start3A_66] : memref<32x128xi32, #tpu.memory_space<hbm>> -> memref<1x128xi32, #tpu.memory_space<hbm>>
      %dma_start3A_68 = tpu.memref_squeeze %dma_start3A_67 : memref<1x128xi32, #tpu.memory_space<hbm>> -> memref<128xi32, #tpu.memory_space<hbm>>
      tpu.enqueue_dma source(%dma_start3A_68 : memref<128xi32, #tpu.memory_space<hbm>>) target(%arg10 : memref<128xi32, #tpu.memory_space<vmem>>) target_semaphore(%run_scoped3A : memref<!tpu.dma_semaphore, #tpu.memory_space<semaphore_mem>>)
      %dma_wait3A_69 = arith.constant 0 : i32
      %dma_wait3A_70 = tpu.memref_slice %arg3[%add3A, %dma_wait3A_69] : memref<32x128xi32, #tpu.memory_space<hbm>> -> memref<1x128xi32, #tpu.memory_space<hbm>>
      %dma_wait3A_71 = tpu.memref_squeeze %dma_wait3A_70 : memref<1x128xi32, #tpu.memory_space<hbm>> -> memref<128xi32, #tpu.memory_space<hbm>>
      %dma_wait3A_72 = arith.constant 0 : i32
      %dma_wait3A_73 = tpu.memref_slice %arg3[%add3A, %dma_wait3A_72] : memref<32x128xi32, #tpu.memory_space<hbm>> -> memref<1x128xi32, #tpu.memory_space<hbm>>
      %dma_wait3A_74 = tpu.memref_squeeze %dma_wait3A_73 : memref<1x128xi32, #tpu.memory_space<hbm>> -> memref<128xi32, #tpu.memory_space<hbm>>
      tpu.wait_dma2 semaphore(%run_scoped3A : memref<!tpu.dma_semaphore, #tpu.memory_space<semaphore_mem>>) src(%dma_wait3A_74 : memref<128xi32, #tpu.memory_space<hbm>>) dst(%arg10 : memref<128xi32, #tpu.memory_space<vmem>>)
      tpu.yield
    }) : () -> ()
    %dma_start3A = arith.constant 0 : i32
    %dma_start3A_3 = arith.constant 0 : i32
    %dma_start3A_4 = tpu.memref_slice %arg5[%dma_start3A, %dma_start3A_3] : memref<10000x128xf32, #tpu.memory_space<hbm>> -> memref<10000x128xf32, #tpu.memory_space<hbm>>
    tpu.enqueue_indirect_dma source(%dma_start3A_4 : memref<10000x128xf32, #tpu.memory_space<hbm>>) target(%arg14 : memref<128x128xf32, #tpu.memory_space<vmem>>) offsets(%arg10 : memref<128xi32, #tpu.memory_space<vmem>>) semaphore(%arg18 : memref<!tpu.dma_semaphore, #tpu.memory_space<semaphore_mem>>)
    %dma_wait3A = arith.constant 0 : i32
    %dma_wait3A_5 = arith.constant 0 : i32
    %dma_wait3A_6 = tpu.memref_slice %arg5[%dma_wait3A, %dma_wait3A_5] : memref<10000x128xf32, #tpu.memory_space<hbm>> -> memref<10000x128xf32, #tpu.memory_space<hbm>>
    tpu.wait_indirect_dma semaphore(%arg18 : memref<!tpu.dma_semaphore, #tpu.memory_space<semaphore_mem>>) src(%dma_wait3A_6 : memref<10000x128xf32, #tpu.memory_space<hbm>>) dst(%arg14 : memref<128x128xf32, #tpu.memory_space<vmem>>)
    "tpu.region"() ({
      %run_scoped3A = tpu.sem_alloc : memref<!tpu.dma_semaphore, #tpu.memory_space<semaphore_mem>>
      %dma_start3A_63 = arith.constant 0 : i32
      %dma_start3A_64 = tpu.memref_slice %arg8[%mul3A_2, %dma_start3A_63] : memref<4096x128xf32, #tpu.memory_space<hbm>> -> memref<128x128xf32, #tpu.memory_space<hbm>>
      %dma_start3A_65 = arith.constant 0 : i32
      %dma_start3A_66 = tpu.memref_slice %arg8[%mul3A_2, %dma_start3A_65] : memref<4096x128xf32, #tpu.memory_space<hbm>> -> memref<128x128xf32, #tpu.memory_space<hbm>>
      tpu.enqueue_dma source(%arg14 : memref<128x128xf32, #tpu.memory_space<vmem>>) target(%dma_start3A_66 : memref<128x128xf32, #tpu.memory_space<hbm>>) target_semaphore(%run_scoped3A : memref<!tpu.dma_semaphore, #tpu.memory_space<semaphore_mem>>)
      %dma_wait3A_67 = arith.constant 0 : i32
      %dma_wait3A_68 = tpu.memref_slice %arg8[%mul3A_2, %dma_wait3A_67] : memref<4096x128xf32, #tpu.memory_space<hbm>> -> memref<128x128xf32, #tpu.memory_space<hbm>>
      %dma_wait3A_69 = arith.constant 0 : i32
      %dma_wait3A_70 = tpu.memref_slice %arg8[%mul3A_2, %dma_wait3A_69] : memref<4096x128xf32, #tpu.memory_space<hbm>> -> memref<128x128xf32, #tpu.memory_space<hbm>>
      tpu.wait_dma2 semaphore(%run_scoped3A : memref<!tpu.dma_semaphore, #tpu.memory_space<semaphore_mem>>) src(%arg14 : memref<128x128xf32, #tpu.memory_space<vmem>>) dst(%dma_wait3A_70 : memref<128x128xf32, #tpu.memory_space<hbm>>)
      tpu.yield
    }) : () -> ()
    "tpu.region"() ({
      %run_scoped3A = tpu.sem_alloc : memref<!tpu.dma_semaphore, #tpu.memory_space<semaphore_mem>>
      %dma_start3A_63 = arith.constant 0 : i32
      %dma_start3A_64 = tpu.memref_slice %arg4[%add3A, %dma_start3A_63] : memref<32x32xi32, #tpu.memory_space<hbm>> -> memref<1x32xi32, #tpu.memory_space<hbm>>
      %dma_start3A_65 = tpu.memref_squeeze %dma_start3A_64 : memref<1x32xi32, #tpu.memory_space<hbm>> -> memref<32xi32, #tpu.memory_space<hbm>>
      %dma_start3A_66 = arith.constant 0 : i32
      %dma_start3A_67 = tpu.memref_slice %arg4[%add3A, %dma_start3A_66] : memref<32x32xi32, #tpu.memory_space<hbm>> -> memref<1x32xi32, #tpu.memory_space<hbm>>
      %dma_start3A_68 = tpu.memref_squeeze %dma_start3A_67 : memref<1x32xi32, #tpu.memory_space<hbm>> -> memref<32xi32, #tpu.memory_space<hbm>>
      tpu.enqueue_dma source(%dma_start3A_68 : memref<32xi32, #tpu.memory_space<hbm>>) target(%arg11 : memref<32xi32, #tpu.memory_space<vmem>>) target_semaphore(%run_scoped3A : memref<!tpu.dma_semaphore, #tpu.memory_space<semaphore_mem>>)
      %dma_wait3A_69 = arith.constant 0 : i32
      %dma_wait3A_70 = tpu.memref_slice %arg4[%add3A, %dma_wait3A_69] : memref<32x32xi32, #tpu.memory_space<hbm>> -> memref<1x32xi32, #tpu.memory_space<hbm>>
      %dma_wait3A_71 = tpu.memref_squeeze %dma_wait3A_70 : memref<1x32xi32, #tpu.memory_space<hbm>> -> memref<32xi32, #tpu.memory_space<hbm>>
      %dma_wait3A_72 = arith.constant 0 : i32
      %dma_wait3A_73 = tpu.memref_slice %arg4[%add3A, %dma_wait3A_72] : memref<32x32xi32, #tpu.memory_space<hbm>> -> memref<1x32xi32, #tpu.memory_space<hbm>>
      %dma_wait3A_74 = tpu.memref_squeeze %dma_wait3A_73 : memref<1x32xi32, #tpu.memory_space<hbm>> -> memref<32xi32, #tpu.memory_space<hbm>>
      tpu.wait_dma2 semaphore(%run_scoped3A : memref<!tpu.dma_semaphore, #tpu.memory_space<semaphore_mem>>) src(%dma_wait3A_74 : memref<32xi32, #tpu.memory_space<hbm>>) dst(%arg11 : memref<32xi32, #tpu.memory_space<vmem>>)
      tpu.yield
    }) : () -> ()
    %dma_start3A_7 = arith.constant 0 : i32
    %dma_start3A_8 = arith.constant 0 : i32
    %dma_start3A_9 = tpu.memref_slice %arg6[%dma_start3A_7, %dma_start3A_8] : memref<1000x128xf32, #tpu.memory_space<hbm>> -> memref<1000x128xf32, #tpu.memory_space<hbm>>
    tpu.enqueue_indirect_dma source(%dma_start3A_9 : memref<1000x128xf32, #tpu.memory_space<hbm>>) target(%arg15 : memref<32x128xf32, #tpu.memory_space<vmem>>) offsets(%arg11 : memref<32xi32, #tpu.memory_space<vmem>>) semaphore(%arg18 : memref<!tpu.dma_semaphore, #tpu.memory_space<semaphore_mem>>)
    %dma_wait3A_10 = arith.constant 0 : i32
    %dma_wait3A_11 = arith.constant 0 : i32
    %dma_wait3A_12 = tpu.memref_slice %arg6[%dma_wait3A_10, %dma_wait3A_11] : memref<1000x128xf32, #tpu.memory_space<hbm>> -> memref<1000x128xf32, #tpu.memory_space<hbm>>
    tpu.wait_indirect_dma semaphore(%arg18 : memref<!tpu.dma_semaphore, #tpu.memory_space<semaphore_mem>>) src(%dma_wait3A_12 : memref<1000x128xf32, #tpu.memory_space<hbm>>) dst(%arg15 : memref<32x128xf32, #tpu.memory_space<vmem>>)
    %mul3A_13 = arith.constant 32 : i32
    %mul3A_14 = arith.muli %add3A, %mul3A_13 : i32
    "tpu.region"() ({
      %run_scoped3A = tpu.sem_alloc : memref<!tpu.dma_semaphore, #tpu.memory_space<semaphore_mem>>
      %dma_start3A_63 = arith.constant 0 : i32
      %dma_start3A_64 = tpu.memref_slice %arg9[%mul3A_14, %dma_start3A_63] : memref<1024x128xf32, #tpu.memory_space<hbm>> -> memref<32x128xf32, #tpu.memory_space<hbm>>
      %dma_start3A_65 = arith.constant 0 : i32
      %dma_start3A_66 = tpu.memref_slice %arg9[%mul3A_14, %dma_start3A_65] : memref<1024x128xf32, #tpu.memory_space<hbm>> -> memref<32x128xf32, #tpu.memory_space<hbm>>
      tpu.enqueue_dma source(%arg15 : memref<32x128xf32, #tpu.memory_space<vmem>>) target(%dma_start3A_66 : memref<32x128xf32, #tpu.memory_space<hbm>>) target_semaphore(%run_scoped3A : memref<!tpu.dma_semaphore, #tpu.memory_space<semaphore_mem>>)
      %dma_wait3A_67 = arith.constant 0 : i32
      %dma_wait3A_68 = tpu.memref_slice %arg9[%mul3A_14, %dma_wait3A_67] : memref<1024x128xf32, #tpu.memory_space<hbm>> -> memref<32x128xf32, #tpu.memory_space<hbm>>
      %dma_wait3A_69 = arith.constant 0 : i32
      %dma_wait3A_70 = tpu.memref_slice %arg9[%mul3A_14, %dma_wait3A_69] : memref<1024x128xf32, #tpu.memory_space<hbm>> -> memref<32x128xf32, #tpu.memory_space<hbm>>
      tpu.wait_dma2 semaphore(%run_scoped3A : memref<!tpu.dma_semaphore, #tpu.memory_space<semaphore_mem>>) src(%arg15 : memref<32x128xf32, #tpu.memory_space<vmem>>) dst(%dma_wait3A_70 : memref<32x128xf32, #tpu.memory_space<hbm>>)
      tpu.yield
    }) : () -> ()
    %dma_start3A_15 = arith.constant 0 : i32
    %dma_start3A_16 = tpu.memref_slice %arg10[%dma_start3A_15] : memref<128xi32, #tpu.memory_space<vmem>> -> memref<32xi32, #tpu.memory_space<vmem>>
    %dma_start3A_17 = arith.constant 0 : i32
    %dma_start3A_18 = arith.constant 0 : i32
    %dma_start3A_19 = tpu.memref_slice %arg2[%dma_start3A_17, %dma_start3A_18] : memref<10000x1024xf32, #tpu.memory_space<hbm>> -> memref<10000x1024xf32, #tpu.memory_space<hbm>>
    tpu.enqueue_indirect_dma source(%dma_start3A_19 : memref<10000x1024xf32, #tpu.memory_space<hbm>>) target(%arg12 : memref<32x1024xf32, #tpu.memory_space<vmem>>) offsets(%dma_start3A_16 : memref<32xi32, #tpu.memory_space<vmem>>) semaphore(%arg16 : memref<!tpu.dma_semaphore, #tpu.memory_space<semaphore_mem>>)
    %dma_start3A_20 = arith.constant 32 : i32
    %dma_start3A_21 = tpu.memref_slice %arg10[%dma_start3A_20] : memref<128xi32, #tpu.memory_space<vmem>> -> memref<32xi32, #tpu.memory_space<vmem>>
    %dma_start3A_22 = arith.constant 0 : i32
    %dma_start3A_23 = arith.constant 0 : i32
    %dma_start3A_24 = tpu.memref_slice %arg2[%dma_start3A_22, %dma_start3A_23] : memref<10000x1024xf32, #tpu.memory_space<hbm>> -> memref<10000x1024xf32, #tpu.memory_space<hbm>>
    tpu.enqueue_indirect_dma source(%dma_start3A_24 : memref<10000x1024xf32, #tpu.memory_space<hbm>>) target(%arg13 : memref<32x1024xf32, #tpu.memory_space<vmem>>) offsets(%dma_start3A_21 : memref<32xi32, #tpu.memory_space<vmem>>) semaphore(%arg17 : memref<!tpu.dma_semaphore, #tpu.memory_space<semaphore_mem>>)
    %dma_wait3A_25 = arith.constant 0 : i32
    %dma_wait3A_26 = tpu.memref_slice %arg10[%dma_wait3A_25] : memref<128xi32, #tpu.memory_space<vmem>> -> memref<32xi32, #tpu.memory_space<vmem>>
    %dma_wait3A_27 = arith.constant 0 : i32
    %dma_wait3A_28 = arith.constant 0 : i32
    %dma_wait3A_29 = tpu.memref_slice %arg2[%dma_wait3A_27, %dma_wait3A_28] : memref<10000x1024xf32, #tpu.memory_space<hbm>> -> memref<10000x1024xf32, #tpu.memory_space<hbm>>
    tpu.wait_indirect_dma semaphore(%arg16 : memref<!tpu.dma_semaphore, #tpu.memory_space<semaphore_mem>>) src(%dma_wait3A_29 : memref<10000x1024xf32, #tpu.memory_space<hbm>>) dst(%arg12 : memref<32x1024xf32, #tpu.memory_space<vmem>>)
    %add3A_30 = arith.constant 0 : i32
    %add3A_31 = arith.addi %mul3A_2, %add3A_30 : i32
    "tpu.region"() ({
      %run_scoped3A = tpu.sem_alloc : memref<!tpu.dma_semaphore, #tpu.memory_space<semaphore_mem>>
      %dma_start3A_63 = arith.constant 0 : i32
      %dma_start3A_64 = tpu.memref_slice %arg7[%add3A_31, %dma_start3A_63] : memref<4096x1024xf32, #tpu.memory_space<hbm>> -> memref<32x1024xf32, #tpu.memory_space<hbm>>
      %dma_start3A_65 = arith.constant 0 : i32
      %dma_start3A_66 = tpu.memref_slice %arg7[%add3A_31, %dma_start3A_65] : memref<4096x1024xf32, #tpu.memory_space<hbm>> -> memref<32x1024xf32, #tpu.memory_space<hbm>>
      tpu.enqueue_dma source(%arg12 : memref<32x1024xf32, #tpu.memory_space<vmem>>) target(%dma_start3A_66 : memref<32x1024xf32, #tpu.memory_space<hbm>>) target_semaphore(%run_scoped3A : memref<!tpu.dma_semaphore, #tpu.memory_space<semaphore_mem>>)
      %dma_wait3A_67 = arith.constant 0 : i32
      %dma_wait3A_68 = tpu.memref_slice %arg7[%add3A_31, %dma_wait3A_67] : memref<4096x1024xf32, #tpu.memory_space<hbm>> -> memref<32x1024xf32, #tpu.memory_space<hbm>>
      %dma_wait3A_69 = arith.constant 0 : i32
      %dma_wait3A_70 = tpu.memref_slice %arg7[%add3A_31, %dma_wait3A_69] : memref<4096x1024xf32, #tpu.memory_space<hbm>> -> memref<32x1024xf32, #tpu.memory_space<hbm>>
      tpu.wait_dma2 semaphore(%run_scoped3A : memref<!tpu.dma_semaphore, #tpu.memory_space<semaphore_mem>>) src(%arg12 : memref<32x1024xf32, #tpu.memory_space<vmem>>) dst(%dma_wait3A_70 : memref<32x1024xf32, #tpu.memory_space<hbm>>)
      tpu.yield
    }) : () -> ()
    %dma_start3A_32 = arith.constant 64 : i32
    %dma_start3A_33 = tpu.memref_slice %arg10[%dma_start3A_32] : memref<128xi32, #tpu.memory_space<vmem>> -> memref<32xi32, #tpu.memory_space<vmem>>
    %dma_start3A_34 = arith.constant 0 : i32
    %dma_start3A_35 = arith.constant 0 : i32
    %dma_start3A_36 = tpu.memref_slice %arg2[%dma_start3A_34, %dma_start3A_35] : memref<10000x1024xf32, #tpu.memory_space<hbm>> -> memref<10000x1024xf32, #tpu.memory_space<hbm>>
    tpu.enqueue_indirect_dma source(%dma_start3A_36 : memref<10000x1024xf32, #tpu.memory_space<hbm>>) target(%arg12 : memref<32x1024xf32, #tpu.memory_space<vmem>>) offsets(%dma_start3A_33 : memref<32xi32, #tpu.memory_space<vmem>>) semaphore(%arg16 : memref<!tpu.dma_semaphore, #tpu.memory_space<semaphore_mem>>)
    %dma_wait3A_37 = arith.constant 32 : i32
    %dma_wait3A_38 = tpu.memref_slice %arg10[%dma_wait3A_37] : memref<128xi32, #tpu.memory_space<vmem>> -> memref<32xi32, #tpu.memory_space<vmem>>
    %dma_wait3A_39 = arith.constant 0 : i32
    %dma_wait3A_40 = arith.constant 0 : i32
    %dma_wait3A_41 = tpu.memref_slice %arg2[%dma_wait3A_39, %dma_wait3A_40] : memref<10000x1024xf32, #tpu.memory_space<hbm>> -> memref<10000x1024xf32, #tpu.memory_space<hbm>>
    tpu.wait_indirect_dma semaphore(%arg17 : memref<!tpu.dma_semaphore, #tpu.memory_space<semaphore_mem>>) src(%dma_wait3A_41 : memref<10000x1024xf32, #tpu.memory_space<hbm>>) dst(%arg13 : memref<32x1024xf32, #tpu.memory_space<vmem>>)
    %add3A_42 = arith.constant 32 : i32
    %add3A_43 = arith.addi %mul3A_2, %add3A_42 : i32
    "tpu.region"() ({
      %run_scoped3A = tpu.sem_alloc : memref<!tpu.dma_semaphore, #tpu.memory_space<semaphore_mem>>
      %dma_start3A_63 = arith.constant 0 : i32
      %dma_start3A_64 = tpu.memref_slice %arg7[%add3A_43, %dma_start3A_63] : memref<4096x1024xf32, #tpu.memory_space<hbm>> -> memref<32x1024xf32, #tpu.memory_space<hbm>>
      %dma_start3A_65 = arith.constant 0 : i32
      %dma_start3A_66 = tpu.memref_slice %arg7[%add3A_43, %dma_start3A_65] : memref<4096x1024xf32, #tpu.memory_space<hbm>> -> memref<32x1024xf32, #tpu.memory_space<hbm>>
      tpu.enqueue_dma source(%arg13 : memref<32x1024xf32, #tpu.memory_space<vmem>>) target(%dma_start3A_66 : memref<32x1024xf32, #tpu.memory_space<hbm>>) target_semaphore(%run_scoped3A : memref<!tpu.dma_semaphore, #tpu.memory_space<semaphore_mem>>)
      %dma_wait3A_67 = arith.constant 0 : i32
      %dma_wait3A_68 = tpu.memref_slice %arg7[%add3A_43, %dma_wait3A_67] : memref<4096x1024xf32, #tpu.memory_space<hbm>> -> memref<32x1024xf32, #tpu.memory_space<hbm>>
      %dma_wait3A_69 = arith.constant 0 : i32
      %dma_wait3A_70 = tpu.memref_slice %arg7[%add3A_43, %dma_wait3A_69] : memref<4096x1024xf32, #tpu.memory_space<hbm>> -> memref<32x1024xf32, #tpu.memory_space<hbm>>
      tpu.wait_dma2 semaphore(%run_scoped3A : memref<!tpu.dma_semaphore, #tpu.memory_space<semaphore_mem>>) src(%arg13 : memref<32x1024xf32, #tpu.memory_space<vmem>>) dst(%dma_wait3A_70 : memref<32x1024xf32, #tpu.memory_space<hbm>>)
      tpu.yield
    }) : () -> ()
    %dma_start3A_44 = arith.constant 96 : i32
    %dma_start3A_45 = tpu.memref_slice %arg10[%dma_start3A_44] : memref<128xi32, #tpu.memory_space<vmem>> -> memref<32xi32, #tpu.memory_space<vmem>>
    %dma_start3A_46 = arith.constant 0 : i32
    %dma_start3A_47 = arith.constant 0 : i32
    %dma_start3A_48 = tpu.memref_slice %arg2[%dma_start3A_46, %dma_start3A_47] : memref<10000x1024xf32, #tpu.memory_space<hbm>> -> memref<10000x1024xf32, #tpu.memory_space<hbm>>
    tpu.enqueue_indirect_dma source(%dma_start3A_48 : memref<10000x1024xf32, #tpu.memory_space<hbm>>) target(%arg13 : memref<32x1024xf32, #tpu.memory_space<vmem>>) offsets(%dma_start3A_45 : memref<32xi32, #tpu.memory_space<vmem>>) semaphore(%arg17 : memref<!tpu.dma_semaphore, #tpu.memory_space<semaphore_mem>>)
    %dma_wait3A_49 = arith.constant 64 : i32
    %dma_wait3A_50 = tpu.memref_slice %arg10[%dma_wait3A_49] : memref<128xi32, #tpu.memory_space<vmem>> -> memref<32xi32, #tpu.memory_space<vmem>>
    %dma_wait3A_51 = arith.constant 0 : i32
    %dma_wait3A_52 = arith.constant 0 : i32
    %dma_wait3A_53 = tpu.memref_slice %arg2[%dma_wait3A_51, %dma_wait3A_52] : memref<10000x1024xf32, #tpu.memory_space<hbm>> -> memref<10000x1024xf32, #tpu.memory_space<hbm>>
    tpu.wait_indirect_dma semaphore(%arg16 : memref<!tpu.dma_semaphore, #tpu.memory_space<semaphore_mem>>) src(%dma_wait3A_53 : memref<10000x1024xf32, #tpu.memory_space<hbm>>) dst(%arg12 : memref<32x1024xf32, #tpu.memory_space<vmem>>)
    %add3A_54 = arith.constant 64 : i32
    %add3A_55 = arith.addi %mul3A_2, %add3A_54 : i32
    "tpu.region"() ({
      %run_scoped3A = tpu.sem_alloc : memref<!tpu.dma_semaphore, #tpu.memory_space<semaphore_mem>>
      %dma_start3A_63 = arith.constant 0 : i32
      %dma_start3A_64 = tpu.memref_slice %arg7[%add3A_55, %dma_start3A_63] : memref<4096x1024xf32, #tpu.memory_space<hbm>> -> memref<32x1024xf32, #tpu.memory_space<hbm>>
      %dma_start3A_65 = arith.constant 0 : i32
      %dma_start3A_66 = tpu.memref_slice %arg7[%add3A_55, %dma_start3A_65] : memref<4096x1024xf32, #tpu.memory_space<hbm>> -> memref<32x1024xf32, #tpu.memory_space<hbm>>
      tpu.enqueue_dma source(%arg12 : memref<32x1024xf32, #tpu.memory_space<vmem>>) target(%dma_start3A_66 : memref<32x1024xf32, #tpu.memory_space<hbm>>) target_semaphore(%run_scoped3A : memref<!tpu.dma_semaphore, #tpu.memory_space<semaphore_mem>>)
      %dma_wait3A_67 = arith.constant 0 : i32
      %dma_wait3A_68 = tpu.memref_slice %arg7[%add3A_55, %dma_wait3A_67] : memref<4096x1024xf32, #tpu.memory_space<hbm>> -> memref<32x1024xf32, #tpu.memory_space<hbm>>
      %dma_wait3A_69 = arith.constant 0 : i32
      %dma_wait3A_70 = tpu.memref_slice %arg7[%add3A_55, %dma_wait3A_69] : memref<4096x1024xf32, #tpu.memory_space<hbm>> -> memref<32x1024xf32, #tpu.memory_space<hbm>>
      tpu.wait_dma2 semaphore(%run_scoped3A : memref<!tpu.dma_semaphore, #tpu.memory_space<semaphore_mem>>) src(%arg12 : memref<32x1024xf32, #tpu.memory_space<vmem>>) dst(%dma_wait3A_70 : memref<32x1024xf32, #tpu.memory_space<hbm>>)
      tpu.yield
    }) : () -> ()
    %dma_wait3A_56 = arith.constant 96 : i32
    %dma_wait3A_57 = tpu.memref_slice %arg10[%dma_wait3A_56] : memref<128xi32, #tpu.memory_space<vmem>> -> memref<32xi32, #tpu.memory_space<vmem>>
    %dma_wait3A_58 = arith.constant 0 : i32
    %dma_wait3A_59 = arith.constant 0 : i32
    %dma_wait3A_60 = tpu.memref_slice %arg2[%dma_wait3A_58, %dma_wait3A_59] : memref<10000x1024xf32, #tpu.memory_space<hbm>> -> memref<10000x1024xf32, #tpu.memory_space<hbm>>
    tpu.wait_indirect_dma semaphore(%arg17 : memref<!tpu.dma_semaphore, #tpu.memory_space<semaphore_mem>>) src(%dma_wait3A_60 : memref<10000x1024xf32, #tpu.memory_space<hbm>>) dst(%arg13 : memref<32x1024xf32, #tpu.memory_space<vmem>>)
    %add3A_61 = arith.constant 96 : i32
    %add3A_62 = arith.addi %mul3A_2, %add3A_61 : i32
    "tpu.region"() ({
      %run_scoped3A = tpu.sem_alloc : memref<!tpu.dma_semaphore, #tpu.memory_space<semaphore_mem>>
      %dma_start3A_63 = arith.constant 0 : i32
      %dma_start3A_64 = tpu.memref_slice %arg7[%add3A_62, %dma_start3A_63] : memref<4096x1024xf32, #tpu.memory_space<hbm>> -> memref<32x1024xf32, #tpu.memory_space<hbm>>
      %dma_start3A_65 = arith.constant 0 : i32
      %dma_start3A_66 = tpu.memref_slice %arg7[%add3A_62, %dma_start3A_65] : memref<4096x1024xf32, #tpu.memory_space<hbm>> -> memref<32x1024xf32, #tpu.memory_space<hbm>>
      tpu.enqueue_dma source(%arg13 : memref<32x1024xf32, #tpu.memory_space<vmem>>) target(%dma_start3A_66 : memref<32x1024xf32, #tpu.memory_space<hbm>>) target_semaphore(%run_scoped3A : memref<!tpu.dma_semaphore, #tpu.memory_space<semaphore_mem>>)
      %dma_wait3A_67 = arith.constant 0 : i32
      %dma_wait3A_68 = tpu.memref_slice %arg7[%add3A_62, %dma_wait3A_67] : memref<4096x1024xf32, #tpu.memory_space<hbm>> -> memref<32x1024xf32, #tpu.memory_space<hbm>>
      %dma_wait3A_69 = arith.constant 0 : i32
      %dma_wait3A_70 = tpu.memref_slice %arg7[%add3A_62, %dma_wait3A_69] : memref<4096x1024xf32, #tpu.memory_space<hbm>> -> memref<32x1024xf32, #tpu.memory_space<hbm>>
      tpu.wait_dma2 semaphore(%run_scoped3A : memref<!tpu.dma_semaphore, #tpu.memory_space<semaphore_mem>>) src(%arg13 : memref<32x1024xf32, #tpu.memory_space<vmem>>) dst(%dma_wait3A_70 : memref<32x1024xf32, #tpu.memory_space<hbm>>)
      tpu.yield
    }) : () -> ()
    return
  }
}

module attributes {stable_mosaic.version = 14 : i64} {
  func.func @_compress_body(%arg0: i32, %arg1: memref<5x400x1000xf32, #tpu.memory_space<vmem>>, %arg2: memref<400x1024xf32, #tpu.memory_space<vmem>>) attributes {dimension_semantics = [#tpu.dimension_semantics<parallel>], iteration_bounds = array<i64: 25>, scalar_prefetch = 0 : i64, scratch_operands = 0 : i64, tpu.core_type = #tpu.core_type<tc>, window_params = [{transform_indices = @transform_0, window_bounds = array<i64: 5, 400, 1000>}, {transform_indices = @transform_1, window_bounds = array<i64: 400, 1024>}]} {
    %get3A = arith.constant 0 : index
    %get3A_0 = arith.constant 0 : index
    %get3A_1 = arith.constant 0 : index
    %get3A_2 = vector.load %arg1[%get3A, %get3A_0, %get3A_1] : memref<5x400x1000xf32, #tpu.memory_space<vmem>>, vector<1x400x1000xf32>
    %get3A_3 = vector.shape_cast %get3A_2 : vector<1x400x1000xf32> to vector<400x1000xf32>
    %get3A_4 = arith.constant 1 : index
    %get3A_5 = arith.constant 0 : index
    %get3A_6 = arith.constant 0 : index
    %get3A_7 = vector.load %arg1[%get3A_4, %get3A_5, %get3A_6] : memref<5x400x1000xf32, #tpu.memory_space<vmem>>, vector<1x400x1000xf32>
    %get3A_8 = vector.shape_cast %get3A_7 : vector<1x400x1000xf32> to vector<400x1000xf32>
    %mul3A = arith.constant 2.000000e+00 : f32
    %mul3A_9 = vector.broadcast %mul3A : f32 to vector<400x1000xf32>
    %mul3A_10 = arith.mulf %mul3A_9, %get3A_8 : vector<400x1000xf32>
    %add3A = arith.addf %get3A_3, %mul3A_10 : vector<400x1000xf32>
    %get3A_11 = arith.constant 2 : index
    %get3A_12 = arith.constant 0 : index
    %get3A_13 = arith.constant 0 : index
    %get3A_14 = vector.load %arg1[%get3A_11, %get3A_12, %get3A_13] : memref<5x400x1000xf32, #tpu.memory_space<vmem>>, vector<1x400x1000xf32>
    %get3A_15 = vector.shape_cast %get3A_14 : vector<1x400x1000xf32> to vector<400x1000xf32>
    %mul3A_16 = arith.constant 3.000000e+00 : f32
    %mul3A_17 = vector.broadcast %mul3A_16 : f32 to vector<400x1000xf32>
    %mul3A_18 = arith.mulf %mul3A_17, %get3A_15 : vector<400x1000xf32>
    %add3A_19 = arith.addf %add3A, %mul3A_18 : vector<400x1000xf32>
    %get3A_20 = arith.constant 3 : index
    %get3A_21 = arith.constant 0 : index
    %get3A_22 = arith.constant 0 : index
    %get3A_23 = vector.load %arg1[%get3A_20, %get3A_21, %get3A_22] : memref<5x400x1000xf32, #tpu.memory_space<vmem>>, vector<1x400x1000xf32>
    %get3A_24 = vector.shape_cast %get3A_23 : vector<1x400x1000xf32> to vector<400x1000xf32>
    %mul3A_25 = arith.constant 4.000000e+00 : f32
    %mul3A_26 = vector.broadcast %mul3A_25 : f32 to vector<400x1000xf32>
    %mul3A_27 = arith.mulf %mul3A_26, %get3A_24 : vector<400x1000xf32>
    %add3A_28 = arith.addf %add3A_19, %mul3A_27 : vector<400x1000xf32>
    %get3A_29 = arith.constant 4 : index
    %get3A_30 = arith.constant 0 : index
    %get3A_31 = arith.constant 0 : index
    %get3A_32 = vector.load %arg1[%get3A_29, %get3A_30, %get3A_31] : memref<5x400x1000xf32, #tpu.memory_space<vmem>>, vector<1x400x1000xf32>
    %get3A_33 = vector.shape_cast %get3A_32 : vector<1x400x1000xf32> to vector<400x1000xf32>
    %mul3A_34 = arith.constant 5.000000e+00 : f32
    %mul3A_35 = vector.broadcast %mul3A_34 : f32 to vector<400x1000xf32>
    %mul3A_36 = arith.mulf %mul3A_35, %get3A_33 : vector<400x1000xf32>
    %add3A_37 = arith.addf %add3A_28, %mul3A_36 : vector<400x1000xf32>
    %broadcast_in_dim3A = arith.constant 0.000000e+00 : f32
    %broadcast_in_dim3A_38 = vector.broadcast %broadcast_in_dim3A : f32 to vector<400x1024xf32>
    %swap3A = arith.constant 0 : index
    %swap3A_39 = arith.constant 0 : index
    %swap3A_40 = vector.load %arg2[%swap3A, %swap3A_39] : memref<400x1024xf32, #tpu.memory_space<vmem>>, vector<400x1024xf32>
    tpu.vector_store %arg2[%swap3A, %swap3A_39], %broadcast_in_dim3A_38 {strides = array<i32>} : memref<400x1024xf32, #tpu.memory_space<vmem>>, vector<400x1024xf32>,
    %swap3A_41 = arith.constant 0 : index
    %swap3A_42 = arith.constant 0 : index
    %swap3A_43 = vector.load %arg2[%swap3A_41, %swap3A_42] : memref<400x1024xf32, #tpu.memory_space<vmem>>, vector<400x1000xf32>
    tpu.vector_store %arg2[%swap3A_41, %swap3A_42], %add3A_37 {strides = array<i32>} : memref<400x1024xf32, #tpu.memory_space<vmem>>, vector<400x1000xf32>,
    return
  }
  func.func @transform_0(%arg0: i32) -> (i32, i32, i32) {
    %c0_i32 = arith.constant 0 : i32
    %c0_i32_0 = arith.constant 0 : i32
    %c0_i32_1 = arith.constant 0 : i32
    return %c0_i32, %arg0, %c0_i32_0 : i32, i32, i32
  }
  func.func @transform_1(%arg0: i32) -> (i32, i32) {
    %c0_i32 = arith.constant 0 : i32
    %c0_i32_0 = arith.constant 0 : i32
    return %arg0, %c0_i32 : i32, i32
  }
}

module attributes {stable_mosaic.version = 14 : i64} {
  func.func @_main_body(%arg0: i32, %arg1: memref<256x1024xf32, #tpu.memory_space<vmem>>, %arg2: memref<256x128xf32, #tpu.memory_space<vmem>>, %arg3: memref<1000x128xf32, #tpu.memory_space<vmem>>, %arg4: memref<5x128x64xf32, #tpu.memory_space<vmem>>, %arg5: memref<1x1000xi32, #tpu.memory_space<vmem>>, %arg6: memref<64x32xf32, #tpu.memory_space<vmem>>, %arg7: memref<1x32xf32, #tpu.memory_space<vmem>>, %arg8: memref<5x64xf32, #tpu.memory_space<vmem>>, %arg9: memref<5x32x32xf32, #tpu.memory_space<vmem>>, %arg10: memref<256x1000xf32, #tpu.memory_space<vmem>>, %arg11: memref<1x1xf32, #tpu.memory_space<vmem>>, %arg12: memref<1x1xf32, #tpu.memory_space<vmem>>, %arg13: memref<5x1024x64xf32, #tpu.memory_space<vmem>>, %arg14: memref<1024x1xf32, #tpu.memory_space<vmem>>, %arg15: memref<4096x64xf32, #tpu.memory_space<vmem>>, %arg16: memref<4096x1xf32, #tpu.memory_space<vmem>>, %arg17: memref<1x1024xf32, #tpu.memory_space<vmem>>, %arg18: memref<1024x64xf32, #tpu.memory_space<vmem>>, %arg19: memref<4096x1000xbf16, #tpu.memory_space<vmem>>, %arg20: memref<4096x32xf32, #tpu.memory_space<vmem>>, %arg21: memref<1000x32xf32, #tpu.memory_space<vmem>>, %arg22: memref<3xf32, #tpu.memory_space<smem>>) attributes {dimension_semantics = [#tpu.dimension_semantics<arbitrary>], iteration_bounds = array<i64: 32>, scalar_prefetch = 0 : i64, scratch_operands = 10 : i64, tpu.core_type = #tpu.core_type<tc>, window_params = [{transform_indices = @transform_0, window_bounds = array<i64: 256, 1024>}, {transform_indices = @transform_1, window_bounds = array<i64: 256, 128>}, {pipeline_mode = #tpu.pipeline_mode<synchronous>, transform_indices = @transform_2, window_bounds = array<i64: 1000, 128>}, {pipeline_mode = #tpu.pipeline_mode<synchronous>, transform_indices = @transform_3, window_bounds = array<i64: 5, 128, 64>}, {pipeline_mode = #tpu.pipeline_mode<synchronous>, transform_indices = @transform_4, window_bounds = array<i64: 1, 1000>}, {pipeline_mode = #tpu.pipeline_mode<synchronous>, transform_indices = @transform_5, window_bounds = array<i64: 64, 32>}, {pipeline_mode = #tpu.pipeline_mode<synchronous>, transform_indices = @transform_6, window_bounds = array<i64: 1, 32>}, {pipeline_mode = #tpu.pipeline_mode<synchronous>, transform_indices = @transform_7, window_bounds = array<i64: 5, 64>}, {pipeline_mode = #tpu.pipeline_mode<synchronous>, transform_indices = @transform_8, window_bounds = array<i64: 5, 32, 32>}, {transform_indices = @transform_9, window_bounds = array<i64: 256, 1000>}, {pipeline_mode = #tpu.pipeline_mode<synchronous>, transform_indices = @transform_10, window_bounds = array<i64: 1, 1>}, {pipeline_mode = #tpu.pipeline_mode<synchronous>, transform_indices = @transform_11, window_bounds = array<i64: 1, 1>}]} {
    %eq3A = arith.constant 0 : i32
    %eq3A_0 = arith.cmpi eq, %arg0, %eq3A : i32
    %convert_element_type3A = arith.extui %eq3A_0 : i1 to i32
    %cond3A = arith.constant 0 : i32
    %cond3A_1 = arith.cmpi ne, %convert_element_type3A, %cond3A : i32
    scf.if %cond3A_1 {
      %iota3A = tpu.iota {dimensions = array<i32: 0>} : vector<1024x1000xi32>
      %get3A = arith.constant 0 : index
      %get3A_10 = arith.constant 0 : index
      %get3A_11 = vector.load %arg5[%get3A, %get3A_10] : memref<1x1000xi32, #tpu.memory_space<vmem>>, vector<1x1000xi32>
      %eq3A_12 = vector.broadcast %get3A_11 : vector<1x1000xi32> to vector<1024x1000xi32>
      %eq3A_13 = arith.cmpi eq, %iota3A, %eq3A_12 : vector<1024x1000xi32>
      %convert_element_type3A_14 = arith.extui %eq3A_13 : vector<1024x1000xi1> to vector<1024x1000xi32>
      %convert_element_type3A_15 = arith.sitofp %convert_element_type3A_14 : vector<1024x1000xi32> to vector<1024x1000xf32>
      %reduce_sum3A = arith.constant dense<0.000000e+00> : vector<1024xf32>
      %reduce_sum3A_16 = vector.multi_reduction <add>, %convert_element_type3A_15, %reduce_sum3A [1] : vector<1024x1000xf32> to vector<1024xf32>
      %broadcast_in_dim3A = vector.shape_cast %reduce_sum3A_16 : vector<1024xf32> to vector<1024x1xf32>
      %swap3A = arith.constant 0 : index
      %swap3A_17 = arith.constant 0 : index
      %swap3A_18 = vector.load %arg14[%swap3A, %swap3A_17] : memref<1024x1xf32, #tpu.memory_space<vmem>>, vector<1024x1xf32>
      tpu.vector_store %arg14[%swap3A, %swap3A_17], %broadcast_in_dim3A {strides = array<i32>} : memref<1024x1xf32, #tpu.memory_space<vmem>>, vector<1024x1xf32>,
      %get3A_19 = arith.constant 0 : index
      %get3A_20 = arith.constant 0 : index
      %get3A_21 = vector.load %arg3[%get3A_19, %get3A_20] : memref<1000x128xf32, #tpu.memory_space<vmem>>, vector<1000x128xf32>
      %get3A_22 = arith.constant 0 : index
      %get3A_23 = arith.constant 0 : index
      %get3A_24 = arith.constant 0 : index
      %get3A_25 = vector.load %arg4[%get3A_22, %get3A_23, %get3A_24] : memref<5x128x64xf32, #tpu.memory_space<vmem>>, vector<1x128x64xf32>
      %get3A_26 = vector.shape_cast %get3A_25 : vector<1x128x64xf32> to vector<128x64xf32>
      %dot_general3A = arith.constant dense<0.000000e+00> : vector<1000x64xf32>
      %dot_general3A_27 = tpu.matmul %get3A_21, %get3A_26, %dot_general3A {dimension_numbers = #tpu.dot_dimension_numbers<[1], [0], [0], [1], [0, 0, 1, 1], [], []>, transpose_lhs_hint = false} : vector<1000x128xf32>, vector<128x64xf32>, vector<1000x64xf32> -> vector<1000x64xf32>
      %dot_general3A_28 = arith.constant dense<0.000000e+00> : vector<1024x64xf32>
      %dot_general3A_29 = tpu.matmul %convert_element_type3A_15, %dot_general3A_27, %dot_general3A_28 {dimension_numbers = #tpu.dot_dimension_numbers<[1], [0], [0], [1], [0, 0, 1, 1], [], []>, transpose_lhs_hint = false} : vector<1024x1000xf32>, vector<1000x64xf32>, vector<1024x64xf32> -> vector<1024x64xf32>
      %swap3A_30 = arith.constant 0 : index
      %swap3A_31 = arith.constant 0 : index
      %swap3A_32 = arith.constant 0 : index
      %swap3A_33 = vector.load %arg13[%swap3A_30, %swap3A_31, %swap3A_32] : memref<5x1024x64xf32, #tpu.memory_space<vmem>>, vector<1x1024x64xf32>
      %swap3A_34 = vector.shape_cast %swap3A_33 : vector<1x1024x64xf32> to vector<1024x64xf32>
      %swap3A_35 = vector.shape_cast %dot_general3A_29 : vector<1024x64xf32> to vector<1x1024x64xf32>
      tpu.vector_store %arg13[%swap3A_30, %swap3A_31, %swap3A_32], %swap3A_35 {strides = array<i32>} : memref<5x1024x64xf32, #tpu.memory_space<vmem>>, vector<1x1024x64xf32>,
      %get3A_36 = arith.constant 1 : index
      %get3A_37 = arith.constant 0 : index
      %get3A_38 = arith.constant 0 : index
      %get3A_39 = vector.load %arg4[%get3A_36, %get3A_37, %get3A_38] : memref<5x128x64xf32, #tpu.memory_space<vmem>>, vector<1x128x64xf32>
      %get3A_40 = vector.shape_cast %get3A_39 : vector<1x128x64xf32> to vector<128x64xf32>
      %dot_general3A_41 = arith.constant dense<0.000000e+00> : vector<1000x64xf32>
      %dot_general3A_42 = tpu.matmul %get3A_21, %get3A_40, %dot_general3A_41 {dimension_numbers = #tpu.dot_dimension_numbers<[1], [0], [0], [1], [0, 0, 1, 1], [], []>, transpose_lhs_hint = false} : vector<1000x128xf32>, vector<128x64xf32>, vector<1000x64xf32> -> vector<1000x64xf32>
      %dot_general3A_43 = arith.constant dense<0.000000e+00> : vector<1024x64xf32>
      %dot_general3A_44 = tpu.matmul %convert_element_type3A_15, %dot_general3A_42, %dot_general3A_43 {dimension_numbers = #tpu.dot_dimension_numbers<[1], [0], [0], [1], [0, 0, 1, 1], [], []>, transpose_lhs_hint = false} : vector<1024x1000xf32>, vector<1000x64xf32>, vector<1024x64xf32> -> vector<1024x64xf32>
      %swap3A_45 = arith.constant 1 : index
      %swap3A_46 = arith.constant 0 : index
      %swap3A_47 = arith.constant 0 : index
      %swap3A_48 = vector.load %arg13[%swap3A_45, %swap3A_46, %swap3A_47] : memref<5x1024x64xf32, #tpu.memory_space<vmem>>, vector<1x1024x64xf32>
      %swap3A_49 = vector.shape_cast %swap3A_48 : vector<1x1024x64xf32> to vector<1024x64xf32>
      %swap3A_50 = vector.shape_cast %dot_general3A_44 : vector<1024x64xf32> to vector<1x1024x64xf32>
      tpu.vector_store %arg13[%swap3A_45, %swap3A_46, %swap3A_47], %swap3A_50 {strides = array<i32>} : memref<5x1024x64xf32, #tpu.memory_space<vmem>>, vector<1x1024x64xf32>,
      %get3A_51 = arith.constant 2 : index
      %get3A_52 = arith.constant 0 : index
      %get3A_53 = arith.constant 0 : index
      %get3A_54 = vector.load %arg4[%get3A_51, %get3A_52, %get3A_53] : memref<5x128x64xf32, #tpu.memory_space<vmem>>, vector<1x128x64xf32>
      %get3A_55 = vector.shape_cast %get3A_54 : vector<1x128x64xf32> to vector<128x64xf32>
      %dot_general3A_56 = arith.constant dense<0.000000e+00> : vector<1000x64xf32>
      %dot_general3A_57 = tpu.matmul %get3A_21, %get3A_55, %dot_general3A_56 {dimension_numbers = #tpu.dot_dimension_numbers<[1], [0], [0], [1], [0, 0, 1, 1], [], []>, transpose_lhs_hint = false} : vector<1000x128xf32>, vector<128x64xf32>, vector<1000x64xf32> -> vector<1000x64xf32>
      %dot_general3A_58 = arith.constant dense<0.000000e+00> : vector<1024x64xf32>
      %dot_general3A_59 = tpu.matmul %convert_element_type3A_15, %dot_general3A_57, %dot_general3A_58 {dimension_numbers = #tpu.dot_dimension_numbers<[1], [0], [0], [1], [0, 0, 1, 1], [], []>, transpose_lhs_hint = false} : vector<1024x1000xf32>, vector<1000x64xf32>, vector<1024x64xf32> -> vector<1024x64xf32>
      %swap3A_60 = arith.constant 2 : index
      %swap3A_61 = arith.constant 0 : index
      %swap3A_62 = arith.constant 0 : index
      %swap3A_63 = vector.load %arg13[%swap3A_60, %swap3A_61, %swap3A_62] : memref<5x1024x64xf32, #tpu.memory_space<vmem>>, vector<1x1024x64xf32>
      %swap3A_64 = vector.shape_cast %swap3A_63 : vector<1x1024x64xf32> to vector<1024x64xf32>
      %swap3A_65 = vector.shape_cast %dot_general3A_59 : vector<1024x64xf32> to vector<1x1024x64xf32>
      tpu.vector_store %arg13[%swap3A_60, %swap3A_61, %swap3A_62], %swap3A_65 {strides = array<i32>} : memref<5x1024x64xf32, #tpu.memory_space<vmem>>, vector<1x1024x64xf32>,
      %get3A_66 = arith.constant 3 : index
      %get3A_67 = arith.constant 0 : index
      %get3A_68 = arith.constant 0 : index
      %get3A_69 = vector.load %arg4[%get3A_66, %get3A_67, %get3A_68] : memref<5x128x64xf32, #tpu.memory_space<vmem>>, vector<1x128x64xf32>
      %get3A_70 = vector.shape_cast %get3A_69 : vector<1x128x64xf32> to vector<128x64xf32>
      %dot_general3A_71 = arith.constant dense<0.000000e+00> : vector<1000x64xf32>
      %dot_general3A_72 = tpu.matmul %get3A_21, %get3A_70, %dot_general3A_71 {dimension_numbers = #tpu.dot_dimension_numbers<[1], [0], [0], [1], [0, 0, 1, 1], [], []>, transpose_lhs_hint = false} : vector<1000x128xf32>, vector<128x64xf32>, vector<1000x64xf32> -> vector<1000x64xf32>
      %dot_general3A_73 = arith.constant dense<0.000000e+00> : vector<1024x64xf32>
      %dot_general3A_74 = tpu.matmul %convert_element_type3A_15, %dot_general3A_72, %dot_general3A_73 {dimension_numbers = #tpu.dot_dimension_numbers<[1], [0], [0], [1], [0, 0, 1, 1], [], []>, transpose_lhs_hint = false} : vector<1024x1000xf32>, vector<1000x64xf32>, vector<1024x64xf32> -> vector<1024x64xf32>
      %swap3A_75 = arith.constant 3 : index
      %swap3A_76 = arith.constant 0 : index
      %swap3A_77 = arith.constant 0 : index
      %swap3A_78 = vector.load %arg13[%swap3A_75, %swap3A_76, %swap3A_77] : memref<5x1024x64xf32, #tpu.memory_space<vmem>>, vector<1x1024x64xf32>
      %swap3A_79 = vector.shape_cast %swap3A_78 : vector<1x1024x64xf32> to vector<1024x64xf32>
      %swap3A_80 = vector.shape_cast %dot_general3A_74 : vector<1024x64xf32> to vector<1x1024x64xf32>
      tpu.vector_store %arg13[%swap3A_75, %swap3A_76, %swap3A_77], %swap3A_80 {strides = array<i32>} : memref<5x1024x64xf32, #tpu.memory_space<vmem>>, vector<1x1024x64xf32>,
      %get3A_81 = arith.constant 4 : index
      %get3A_82 = arith.constant 0 : index
      %get3A_83 = arith.constant 0 : index
      %get3A_84 = vector.load %arg4[%get3A_81, %get3A_82, %get3A_83] : memref<5x128x64xf32, #tpu.memory_space<vmem>>, vector<1x128x64xf32>
      %get3A_85 = vector.shape_cast %get3A_84 : vector<1x128x64xf32> to vector<128x64xf32>
      %dot_general3A_86 = arith.constant dense<0.000000e+00> : vector<1000x64xf32>
      %dot_general3A_87 = tpu.matmul %get3A_21, %get3A_85, %dot_general3A_86 {dimension_numbers = #tpu.dot_dimension_numbers<[1], [0], [0], [1], [0, 0, 1, 1], [], []>, transpose_lhs_hint = false} : vector<1000x128xf32>, vector<128x64xf32>, vector<1000x64xf32> -> vector<1000x64xf32>
      %dot_general3A_88 = arith.constant dense<0.000000e+00> : vector<1024x64xf32>
      %dot_general3A_89 = tpu.matmul %convert_element_type3A_15, %dot_general3A_87, %dot_general3A_88 {dimension_numbers = #tpu.dot_dimension_numbers<[1], [0], [0], [1], [0, 0, 1, 1], [], []>, transpose_lhs_hint = false} : vector<1024x1000xf32>, vector<1000x64xf32>, vector<1024x64xf32> -> vector<1024x64xf32>
      %swap3A_90 = arith.constant 4 : index
      %swap3A_91 = arith.constant 0 : index
      %swap3A_92 = arith.constant 0 : index
      %swap3A_93 = vector.load %arg13[%swap3A_90, %swap3A_91, %swap3A_92] : memref<5x1024x64xf32, #tpu.memory_space<vmem>>, vector<1x1024x64xf32>
      %swap3A_94 = vector.shape_cast %swap3A_93 : vector<1x1024x64xf32> to vector<1024x64xf32>
      %swap3A_95 = vector.shape_cast %dot_general3A_89 : vector<1024x64xf32> to vector<1x1024x64xf32>
      tpu.vector_store %arg13[%swap3A_90, %swap3A_91, %swap3A_92], %swap3A_95 {strides = array<i32>} : memref<5x1024x64xf32, #tpu.memory_space<vmem>>, vector<1x1024x64xf32>,
    } else {
    }
    %lt3A = arith.constant 16 : i32
    %lt3A_2 = arith.cmpi slt, %arg0, %lt3A : i32
    %convert_element_type3A_3 = arith.extui %lt3A_2 : i1 to i32
    %cond3A_4 = arith.constant 0 : i32
    %cond3A_5 = arith.cmpi ne, %convert_element_type3A_3, %cond3A_4 : i32
    scf.if %cond3A_5 {
      %get3A = arith.constant 0 : index
      %get3A_10 = arith.constant 0 : index
      %get3A_11 = vector.load %arg2[%get3A, %get3A_10] : memref<256x128xf32, #tpu.memory_space<vmem>>, vector<256x128xf32>
      %get3A_12 = arith.constant 0 : index
      %get3A_13 = arith.constant 0 : index
      %get3A_14 = vector.load %arg1[%get3A_12, %get3A_13] : memref<256x1024xf32, #tpu.memory_space<vmem>>, vector<256x1024xf32>
      %broadcast_in_dim3A = arith.constant 0.000000e+00 : f32
      %broadcast_in_dim3A_15 = vector.broadcast %broadcast_in_dim3A : f32 to vector<256x64xf32>
      %broadcast_in_dim3A_16 = arith.constant 0.000000e+00 : f32
      %broadcast_in_dim3A_17 = vector.broadcast %broadcast_in_dim3A_16 : f32 to vector<256x1xf32>
      %broadcast_in_dim3A_18 = arith.constant 0.000000e+00 : f32
      %broadcast_in_dim3A_19 = vector.broadcast %broadcast_in_dim3A_18 : f32 to vector<1x1024xf32>
      %broadcast_in_dim3A_20 = arith.constant 0.000000e+00 : f32
      %broadcast_in_dim3A_21 = vector.broadcast %broadcast_in_dim3A_20 : f32 to vector<1024x64xf32>
      %get3A_22 = arith.constant 0 : index
      %get3A_23 = arith.constant 0 : index
      %get3A_24 = vector.load %arg14[%get3A_22, %get3A_23] : memref<1024x1xf32, #tpu.memory_space<vmem>>, vector<1024x1xf32>
      %eq3A_25 = arith.constant 1.000000e+00 : f32
      %eq3A_26 = vector.broadcast %eq3A_25 : f32 to vector<256x1024xf32>
      %eq3A_27 = arith.cmpf oeq, %get3A_14, %eq3A_26 : vector<256x1024xf32>
      %convert_element_type3A_28 = arith.extui %eq3A_27 : vector<256x1024xi1> to vector<256x1024xi32>
      %convert_element_type3A_29 = arith.sitofp %convert_element_type3A_28 : vector<256x1024xi32> to vector<256x1024xf32>
      %get3A_30 = arith.constant 0 : index
      %get3A_31 = arith.constant 0 : index
      %get3A_32 = arith.constant 0 : index
      %get3A_33 = vector.load %arg4[%get3A_30, %get3A_31, %get3A_32] : memref<5x128x64xf32, #tpu.memory_space<vmem>>, vector<1x128x64xf32>
      %get3A_34 = vector.shape_cast %get3A_33 : vector<1x128x64xf32> to vector<128x64xf32>
      %dot_general3A = arith.constant dense<0.000000e+00> : vector<256x64xf32>
      %dot_general3A_35 = tpu.matmul %get3A_11, %get3A_34, %dot_general3A {dimension_numbers = #tpu.dot_dimension_numbers<[1], [0], [0], [1], [0, 0, 1, 1], [], []>, transpose_lhs_hint = false} : vector<256x128xf32>, vector<128x64xf32>, vector<256x64xf32> -> vector<256x64xf32>
      %get3A_36 = arith.constant 0 : index
      %get3A_37 = arith.constant 0 : index
      %get3A_38 = arith.constant 0 : index
      %get3A_39 = vector.load %arg13[%get3A_36, %get3A_37, %get3A_38] : memref<5x1024x64xf32, #tpu.memory_space<vmem>>, vector<1x1024x64xf32>
      %get3A_40 = vector.shape_cast %get3A_39 : vector<1x1024x64xf32> to vector<1024x64xf32>
      %dot_general3A_41 = arith.constant dense<0.000000e+00> : vector<256x64xf32>
      %dot_general3A_42 = tpu.matmul %convert_element_type3A_29, %get3A_40, %dot_general3A_41 {dimension_numbers = #tpu.dot_dimension_numbers<[1], [0], [0], [1], [0, 0, 1, 1], [], []>, transpose_lhs_hint = false} : vector<256x1024xf32>, vector<1024x64xf32>, vector<256x64xf32> -> vector<256x64xf32>
      %add3A = arith.addf %broadcast_in_dim3A_15, %dot_general3A_42 : vector<256x64xf32>
      %dot_general3A_43 = arith.constant dense<0.000000e+00> : vector<256x1xf32>
      %dot_general3A_44 = tpu.matmul %convert_element_type3A_29, %get3A_24, %dot_general3A_43 {dimension_numbers = #tpu.dot_dimension_numbers<[1], [0], [0], [1], [0, 0, 1, 1], [], []>, transpose_lhs_hint = false} : vector<256x1024xf32>, vector<1024x1xf32>, vector<256x1xf32> -> vector<256x1xf32>
      %add3A_45 = arith.addf %broadcast_in_dim3A_17, %dot_general3A_44 : vector<256x1xf32>
      %reduce_sum3A = arith.constant dense<0.000000e+00> : vector<1024xf32>
      %reduce_sum3A_46 = vector.multi_reduction <add>, %convert_element_type3A_29, %reduce_sum3A [0] : vector<256x1024xf32> to vector<1024xf32>
      %broadcast_in_dim3A_47 = vector.shape_cast %reduce_sum3A_46 : vector<1024xf32> to vector<1x1024xf32>
      %add3A_48 = arith.addf %broadcast_in_dim3A_19, %broadcast_in_dim3A_47 : vector<1x1024xf32>
      %dot_general3A_49 = arith.constant dense<0.000000e+00> : vector<1024x64xf32>
      %dot_general3A_50 = tpu.matmul %convert_element_type3A_29, %dot_general3A_35, %dot_general3A_49 {dimension_numbers = #tpu.dot_dimension_numbers<[0], [0], [1], [1], [0, 1, 1, 1], [], []>, transpose_lhs_hint = false} : vector<256x1024xf32>, vector<256x64xf32>, vector<1024x64xf32> -> vector<1024x64xf32>
      %add3A_51 = arith.addf %broadcast_in_dim3A_21, %dot_general3A_50 : vector<1024x64xf32>
      %eq3A_52 = arith.constant 2.000000e+00 : f32
      %eq3A_53 = vector.broadcast %eq3A_52 : f32 to vector<256x1024xf32>
      %eq3A_54 = arith.cmpf oeq, %get3A_14, %eq3A_53 : vector<256x1024xf32>
      %convert_element_type3A_55 = arith.extui %eq3A_54 : vector<256x1024xi1> to vector<256x1024xi32>
      %convert_element_type3A_56 = arith.sitofp %convert_element_type3A_55 : vector<256x1024xi32> to vector<256x1024xf32>
      %get3A_57 = arith.constant 1 : index
      %get3A_58 = arith.constant 0 : index
      %get3A_59 = arith.constant 0 : index
      %get3A_60 = vector.load %arg4[%get3A_57, %get3A_58, %get3A_59] : memref<5x128x64xf32, #tpu.memory_space<vmem>>, vector<1x128x64xf32>
      %get3A_61 = vector.shape_cast %get3A_60 : vector<1x128x64xf32> to vector<128x64xf32>
      %dot_general3A_62 = arith.constant dense<0.000000e+00> : vector<256x64xf32>
      %dot_general3A_63 = tpu.matmul %get3A_11, %get3A_61, %dot_general3A_62 {dimension_numbers = #tpu.dot_dimension_numbers<[1], [0], [0], [1], [0, 0, 1, 1], [], []>, transpose_lhs_hint = false} : vector<256x128xf32>, vector<128x64xf32>, vector<256x64xf32> -> vector<256x64xf32>
      %get3A_64 = arith.constant 1 : index
      %get3A_65 = arith.constant 0 : index
      %get3A_66 = arith.constant 0 : index
      %get3A_67 = vector.load %arg13[%get3A_64, %get3A_65, %get3A_66] : memref<5x1024x64xf32, #tpu.memory_space<vmem>>, vector<1x1024x64xf32>
      %get3A_68 = vector.shape_cast %get3A_67 : vector<1x1024x64xf32> to vector<1024x64xf32>
      %dot_general3A_69 = arith.constant dense<0.000000e+00> : vector<256x64xf32>
      %dot_general3A_70 = tpu.matmul %convert_element_type3A_56, %get3A_68, %dot_general3A_69 {dimension_numbers = #tpu.dot_dimension_numbers<[1], [0], [0], [1], [0, 0, 1, 1], [], []>, transpose_lhs_hint = false} : vector<256x1024xf32>, vector<1024x64xf32>, vector<256x64xf32> -> vector<256x64xf32>
      %add3A_71 = arith.addf %add3A, %dot_general3A_70 : vector<256x64xf32>
      %dot_general3A_72 = arith.constant dense<0.000000e+00> : vector<256x1xf32>
      %dot_general3A_73 = tpu.matmul %convert_element_type3A_56, %get3A_24, %dot_general3A_72 {dimension_numbers = #tpu.dot_dimension_numbers<[1], [0], [0], [1], [0, 0, 1, 1], [], []>, transpose_lhs_hint = false} : vector<256x1024xf32>, vector<1024x1xf32>, vector<256x1xf32> -> vector<256x1xf32>
      %add3A_74 = arith.addf %add3A_45, %dot_general3A_73 : vector<256x1xf32>
      %reduce_sum3A_75 = arith.constant dense<0.000000e+00> : vector<1024xf32>
      %reduce_sum3A_76 = vector.multi_reduction <add>, %convert_element_type3A_56, %reduce_sum3A_75 [0] : vector<256x1024xf32> to vector<1024xf32>
      %broadcast_in_dim3A_77 = vector.shape_cast %reduce_sum3A_76 : vector<1024xf32> to vector<1x1024xf32>
      %add3A_78 = arith.addf %add3A_48, %broadcast_in_dim3A_77 : vector<1x1024xf32>
      %dot_general3A_79 = arith.constant dense<0.000000e+00> : vector<1024x64xf32>
      %dot_general3A_80 = tpu.matmul %convert_element_type3A_56, %dot_general3A_63, %dot_general3A_79 {dimension_numbers = #tpu.dot_dimension_numbers<[0], [0], [1], [1], [0, 1, 1, 1], [], []>, transpose_lhs_hint = false} : vector<256x1024xf32>, vector<256x64xf32>, vector<1024x64xf32> -> vector<1024x64xf32>
      %add3A_81 = arith.addf %add3A_51, %dot_general3A_80 : vector<1024x64xf32>
      %eq3A_82 = arith.constant 3.000000e+00 : f32
      %eq3A_83 = vector.broadcast %eq3A_82 : f32 to vector<256x1024xf32>
      %eq3A_84 = arith.cmpf oeq, %get3A_14, %eq3A_83 : vector<256x1024xf32>
      %convert_element_type3A_85 = arith.extui %eq3A_84 : vector<256x1024xi1> to vector<256x1024xi32>
      %convert_element_type3A_86 = arith.sitofp %convert_element_type3A_85 : vector<256x1024xi32> to vector<256x1024xf32>
      %get3A_87 = arith.constant 2 : index
      %get3A_88 = arith.constant 0 : index
      %get3A_89 = arith.constant 0 : index
      %get3A_90 = vector.load %arg4[%get3A_87, %get3A_88, %get3A_89] : memref<5x128x64xf32, #tpu.memory_space<vmem>>, vector<1x128x64xf32>
      %get3A_91 = vector.shape_cast %get3A_90 : vector<1x128x64xf32> to vector<128x64xf32>
      %dot_general3A_92 = arith.constant dense<0.000000e+00> : vector<256x64xf32>
      %dot_general3A_93 = tpu.matmul %get3A_11, %get3A_91, %dot_general3A_92 {dimension_numbers = #tpu.dot_dimension_numbers<[1], [0], [0], [1], [0, 0, 1, 1], [], []>, transpose_lhs_hint = false} : vector<256x128xf32>, vector<128x64xf32>, vector<256x64xf32> -> vector<256x64xf32>
      %get3A_94 = arith.constant 2 : index
      %get3A_95 = arith.constant 0 : index
      %get3A_96 = arith.constant 0 : index
      %get3A_97 = vector.load %arg13[%get3A_94, %get3A_95, %get3A_96] : memref<5x1024x64xf32, #tpu.memory_space<vmem>>, vector<1x1024x64xf32>
      %get3A_98 = vector.shape_cast %get3A_97 : vector<1x1024x64xf32> to vector<1024x64xf32>
      %dot_general3A_99 = arith.constant dense<0.000000e+00> : vector<256x64xf32>
      %dot_general3A_100 = tpu.matmul %convert_element_type3A_86, %get3A_98, %dot_general3A_99 {dimension_numbers = #tpu.dot_dimension_numbers<[1], [0], [0], [1], [0, 0, 1, 1], [], []>, transpose_lhs_hint = false} : vector<256x1024xf32>, vector<1024x64xf32>, vector<256x64xf32> -> vector<256x64xf32>
      %add3A_101 = arith.addf %add3A_71, %dot_general3A_100 : vector<256x64xf32>
      %dot_general3A_102 = arith.constant dense<0.000000e+00> : vector<256x1xf32>
      %dot_general3A_103 = tpu.matmul %convert_element_type3A_86, %get3A_24, %dot_general3A_102 {dimension_numbers = #tpu.dot_dimension_numbers<[1], [0], [0], [1], [0, 0, 1, 1], [], []>, transpose_lhs_hint = false} : vector<256x1024xf32>, vector<1024x1xf32>, vector<256x1xf32> -> vector<256x1xf32>
      %add3A_104 = arith.addf %add3A_74, %dot_general3A_103 : vector<256x1xf32>
      %reduce_sum3A_105 = arith.constant dense<0.000000e+00> : vector<1024xf32>
      %reduce_sum3A_106 = vector.multi_reduction <add>, %convert_element_type3A_86, %reduce_sum3A_105 [0] : vector<256x1024xf32> to vector<1024xf32>
      %broadcast_in_dim3A_107 = vector.shape_cast %reduce_sum3A_106 : vector<1024xf32> to vector<1x1024xf32>
      %add3A_108 = arith.addf %add3A_78, %broadcast_in_dim3A_107 : vector<1x1024xf32>
      %dot_general3A_109 = arith.constant dense<0.000000e+00> : vector<1024x64xf32>
      %dot_general3A_110 = tpu.matmul %convert_element_type3A_86, %dot_general3A_93, %dot_general3A_109 {dimension_numbers = #tpu.dot_dimension_numbers<[0], [0], [1], [1], [0, 1, 1, 1], [], []>, transpose_lhs_hint = false} : vector<256x1024xf32>, vector<256x64xf32>, vector<1024x64xf32> -> vector<1024x64xf32>
      %add3A_111 = arith.addf %add3A_81, %dot_general3A_110 : vector<1024x64xf32>
      %eq3A_112 = arith.constant 4.000000e+00 : f32
      %eq3A_113 = vector.broadcast %eq3A_112 : f32 to vector<256x1024xf32>
      %eq3A_114 = arith.cmpf oeq, %get3A_14, %eq3A_113 : vector<256x1024xf32>
      %convert_element_type3A_115 = arith.extui %eq3A_114 : vector<256x1024xi1> to vector<256x1024xi32>
      %convert_element_type3A_116 = arith.sitofp %convert_element_type3A_115 : vector<256x1024xi32> to vector<256x1024xf32>
      %get3A_117 = arith.constant 3 : index
      %get3A_118 = arith.constant 0 : index
      %get3A_119 = arith.constant 0 : index
      %get3A_120 = vector.load %arg4[%get3A_117, %get3A_118, %get3A_119] : memref<5x128x64xf32, #tpu.memory_space<vmem>>, vector<1x128x64xf32>
      %get3A_121 = vector.shape_cast %get3A_120 : vector<1x128x64xf32> to vector<128x64xf32>
      %dot_general3A_122 = arith.constant dense<0.000000e+00> : vector<256x64xf32>
      %dot_general3A_123 = tpu.matmul %get3A_11, %get3A_121, %dot_general3A_122 {dimension_numbers = #tpu.dot_dimension_numbers<[1], [0], [0], [1], [0, 0, 1, 1], [], []>, transpose_lhs_hint = false} : vector<256x128xf32>, vector<128x64xf32>, vector<256x64xf32> -> vector<256x64xf32>
      %get3A_124 = arith.constant 3 : index
      %get3A_125 = arith.constant 0 : index
      %get3A_126 = arith.constant 0 : index
      %get3A_127 = vector.load %arg13[%get3A_124, %get3A_125, %get3A_126] : memref<5x1024x64xf32, #tpu.memory_space<vmem>>, vector<1x1024x64xf32>
      %get3A_128 = vector.shape_cast %get3A_127 : vector<1x1024x64xf32> to vector<1024x64xf32>
      %dot_general3A_129 = arith.constant dense<0.000000e+00> : vector<256x64xf32>
      %dot_general3A_130 = tpu.matmul %convert_element_type3A_116, %get3A_128, %dot_general3A_129 {dimension_numbers = #tpu.dot_dimension_numbers<[1], [0], [0], [1], [0, 0, 1, 1], [], []>, transpose_lhs_hint = false} : vector<256x1024xf32>, vector<1024x64xf32>, vector<256x64xf32> -> vector<256x64xf32>
      %add3A_131 = arith.addf %add3A_101, %dot_general3A_130 : vector<256x64xf32>
      %dot_general3A_132 = arith.constant dense<0.000000e+00> : vector<256x1xf32>
      %dot_general3A_133 = tpu.matmul %convert_element_type3A_116, %get3A_24, %dot_general3A_132 {dimension_numbers = #tpu.dot_dimension_numbers<[1], [0], [0], [1], [0, 0, 1, 1], [], []>, transpose_lhs_hint = false} : vector<256x1024xf32>, vector<1024x1xf32>, vector<256x1xf32> -> vector<256x1xf32>
      %add3A_134 = arith.addf %add3A_104, %dot_general3A_133 : vector<256x1xf32>
      %reduce_sum3A_135 = arith.constant dense<0.000000e+00> : vector<1024xf32>
      %reduce_sum3A_136 = vector.multi_reduction <add>, %convert_element_type3A_116, %reduce_sum3A_135 [0] : vector<256x1024xf32> to vector<1024xf32>
      %broadcast_in_dim3A_137 = vector.shape_cast %reduce_sum3A_136 : vector<1024xf32> to vector<1x1024xf32>
      %add3A_138 = arith.addf %add3A_108, %broadcast_in_dim3A_137 : vector<1x1024xf32>
      %dot_general3A_139 = arith.constant dense<0.000000e+00> : vector<1024x64xf32>
      %dot_general3A_140 = tpu.matmul %convert_element_type3A_116, %dot_general3A_123, %dot_general3A_139 {dimension_numbers = #tpu.dot_dimension_numbers<[0], [0], [1], [1], [0, 1, 1, 1], [], []>, transpose_lhs_hint = false} : vector<256x1024xf32>, vector<256x64xf32>, vector<1024x64xf32> -> vector<1024x64xf32>
      %add3A_141 = arith.addf %add3A_111, %dot_general3A_140 : vector<1024x64xf32>
      %eq3A_142 = arith.constant 5.000000e+00 : f32
      %eq3A_143 = vector.broadcast %eq3A_142 : f32 to vector<256x1024xf32>
      %eq3A_144 = arith.cmpf oeq, %get3A_14, %eq3A_143 : vector<256x1024xf32>
      %convert_element_type3A_145 = arith.extui %eq3A_144 : vector<256x1024xi1> to vector<256x1024xi32>
      %convert_element_type3A_146 = arith.sitofp %convert_element_type3A_145 : vector<256x1024xi32> to vector<256x1024xf32>
      %get3A_147 = arith.constant 4 : index
      %get3A_148 = arith.constant 0 : index
      %get3A_149 = arith.constant 0 : index
      %get3A_150 = vector.load %arg4[%get3A_147, %get3A_148, %get3A_149] : memref<5x128x64xf32, #tpu.memory_space<vmem>>, vector<1x128x64xf32>
      %get3A_151 = vector.shape_cast %get3A_150 : vector<1x128x64xf32> to vector<128x64xf32>
      %dot_general3A_152 = arith.constant dense<0.000000e+00> : vector<256x64xf32>
      %dot_general3A_153 = tpu.matmul %get3A_11, %get3A_151, %dot_general3A_152 {dimension_numbers = #tpu.dot_dimension_numbers<[1], [0], [0], [1], [0, 0, 1, 1], [], []>, transpose_lhs_hint = false} : vector<256x128xf32>, vector<128x64xf32>, vector<256x64xf32> -> vector<256x64xf32>
      %get3A_154 = arith.constant 4 : index
      %get3A_155 = arith.constant 0 : index
      %get3A_156 = arith.constant 0 : index
      %get3A_157 = vector.load %arg13[%get3A_154, %get3A_155, %get3A_156] : memref<5x1024x64xf32, #tpu.memory_space<vmem>>, vector<1x1024x64xf32>
      %get3A_158 = vector.shape_cast %get3A_157 : vector<1x1024x64xf32> to vector<1024x64xf32>
      %dot_general3A_159 = arith.constant dense<0.000000e+00> : vector<256x64xf32>
      %dot_general3A_160 = tpu.matmul %convert_element_type3A_146, %get3A_158, %dot_general3A_159 {dimension_numbers = #tpu.dot_dimension_numbers<[1], [0], [0], [1], [0, 0, 1, 1], [], []>, transpose_lhs_hint = false} : vector<256x1024xf32>, vector<1024x64xf32>, vector<256x64xf32> -> vector<256x64xf32>
      %add3A_161 = arith.addf %add3A_131, %dot_general3A_160 : vector<256x64xf32>
      %dot_general3A_162 = arith.constant dense<0.000000e+00> : vector<256x1xf32>
      %dot_general3A_163 = tpu.matmul %convert_element_type3A_146, %get3A_24, %dot_general3A_162 {dimension_numbers = #tpu.dot_dimension_numbers<[1], [0], [0], [1], [0, 0, 1, 1], [], []>, transpose_lhs_hint = false} : vector<256x1024xf32>, vector<1024x1xf32>, vector<256x1xf32> -> vector<256x1xf32>
      %add3A_164 = arith.addf %add3A_134, %dot_general3A_163 : vector<256x1xf32>
      %reduce_sum3A_165 = arith.constant dense<0.000000e+00> : vector<1024xf32>
      %reduce_sum3A_166 = vector.multi_reduction <add>, %convert_element_type3A_146, %reduce_sum3A_165 [0] : vector<256x1024xf32> to vector<1024xf32>
      %broadcast_in_dim3A_167 = vector.shape_cast %reduce_sum3A_166 : vector<1024xf32> to vector<1x1024xf32>
      %add3A_168 = arith.addf %add3A_138, %broadcast_in_dim3A_167 : vector<1x1024xf32>
      %dot_general3A_169 = arith.constant dense<0.000000e+00> : vector<1024x64xf32>
      %dot_general3A_170 = tpu.matmul %convert_element_type3A_146, %dot_general3A_153, %dot_general3A_169 {dimension_numbers = #tpu.dot_dimension_numbers<[0], [0], [1], [1], [0, 1, 1, 1], [], []>, transpose_lhs_hint = false} : vector<256x1024xf32>, vector<256x64xf32>, vector<1024x64xf32> -> vector<1024x64xf32>
      %add3A_171 = arith.addf %add3A_141, %dot_general3A_170 : vector<1024x64xf32>
      %iota3A = tpu.iota {dimensions = array<i32: 0>} : vector<1024x1000xi32>
      %get3A_172 = arith.constant 0 : index
      %get3A_173 = arith.constant 0 : index
      %get3A_174 = vector.load %arg5[%get3A_172, %get3A_173] : memref<1x1000xi32, #tpu.memory_space<vmem>>, vector<1x1000xi32>
      %eq3A_175 = vector.broadcast %get3A_174 : vector<1x1000xi32> to vector<1024x1000xi32>
      %eq3A_176 = arith.cmpi eq, %iota3A, %eq3A_175 : vector<1024x1000xi32>
      %convert_element_type3A_177 = arith.extui %eq3A_176 : vector<1024x1000xi1> to vector<1024x1000xi32>
      %convert_element_type3A_178 = arith.sitofp %convert_element_type3A_177 : vector<1024x1000xi32> to vector<1024x1000xf32>
      %convert_element_type3A_179 = arith.truncf %convert_element_type3A_178 : vector<1024x1000xf32> to vector<1024x1000xbf16>
      %convert_element_type3A_180 = arith.truncf %get3A_14 : vector<256x1024xf32> to vector<256x1024xbf16>
      %dot_general3A_181 = arith.constant dense<0.000000e+00> : vector<256x1000xf32>
      %dot_general3A_182 = tpu.matmul %convert_element_type3A_180, %convert_element_type3A_179, %dot_general3A_181 {dimension_numbers = #tpu.dot_dimension_numbers<[1], [0], [0], [1], [0, 0, 1, 1], [], []>, transpose_lhs_hint = false} : vector<256x1024xbf16>, vector<1024x1000xbf16>, vector<256x1000xf32> -> vector<256x1000xf32>
      %convert_element_type3A_183 = arith.truncf %dot_general3A_182 : vector<256x1000xf32> to vector<256x1000xbf16>
      %mul3A = arith.constant 256 : i32
      %mul3A_184 = arith.muli %arg0, %mul3A : i32
      %swap3A = arith.index_cast %mul3A_184 : i32 to index
      %swap3A_185 = arith.constant 0 : index
      %swap3A_186 = vector.load %arg19[%swap3A, %swap3A_185] : memref<4096x1000xbf16, #tpu.memory_space<vmem>>, vector<256x1000xbf16>
      tpu.vector_store %arg19[%swap3A, %swap3A_185], %convert_element_type3A_183 {strides = array<i32>} : memref<4096x1000xbf16, #tpu.memory_space<vmem>>, vector<256x1000xbf16>,
      %mul3A_187 = arith.constant 256 : i32
      %mul3A_188 = arith.muli %arg0, %mul3A_187 : i32
      %swap3A_189 = arith.index_cast %mul3A_188 : i32 to index
      %swap3A_190 = arith.constant 0 : index
      %swap3A_191 = vector.load %arg15[%swap3A_189, %swap3A_190] : memref<4096x64xf32, #tpu.memory_space<vmem>>, vector<256x64xf32>
      tpu.vector_store %arg15[%swap3A_189, %swap3A_190], %add3A_161 {strides = array<i32>} : memref<4096x64xf32, #tpu.memory_space<vmem>>, vector<256x64xf32>,
      %mul3A_192 = arith.constant 256 : i32
      %mul3A_193 = arith.muli %arg0, %mul3A_192 : i32
      %swap3A_194 = arith.index_cast %mul3A_193 : i32 to index
      %swap3A_195 = arith.constant 0 : index
      %swap3A_196 = vector.load %arg16[%swap3A_194, %swap3A_195] : memref<4096x1xf32, #tpu.memory_space<vmem>>, vector<256x1xf32>
      tpu.vector_store %arg16[%swap3A_194, %swap3A_195], %add3A_164 {strides = array<i32>} : memref<4096x1xf32, #tpu.memory_space<vmem>>, vector<256x1xf32>,
      %eq3A_197 = arith.constant 0 : i32
      %eq3A_198 = arith.cmpi eq, %arg0, %eq3A_197 : i32
      %convert_element_type3A_199 = arith.extui %eq3A_198 : i1 to i32
      %cond3A_200 = arith.constant 0 : i32
      %cond3A_201 = arith.cmpi ne, %convert_element_type3A_199, %cond3A_200 : i32
      scf.if %cond3A_201 {
        %swap3A_206 = arith.constant 0 : index
        %swap3A_207 = arith.constant 0 : index
        %swap3A_208 = vector.load %arg17[%swap3A_206, %swap3A_207] : memref<1x1024xf32, #tpu.memory_space<vmem>>, vector<1x1024xf32>
        tpu.vector_store %arg17[%swap3A_206, %swap3A_207], %add3A_168 {strides = array<i32>} : memref<1x1024xf32, #tpu.memory_space<vmem>>, vector<1x1024xf32>,
        %swap3A_209 = arith.constant 0 : index
        %swap3A_210 = arith.constant 0 : index
        %swap3A_211 = vector.load %arg18[%swap3A_209, %swap3A_210] : memref<1024x64xf32, #tpu.memory_space<vmem>>, vector<1024x64xf32>
        tpu.vector_store %arg18[%swap3A_209, %swap3A_210], %add3A_171 {strides = array<i32>} : memref<1024x64xf32, #tpu.memory_space<vmem>>, vector<1024x64xf32>,
      } else {
      }
      %ne3A = arith.constant 0 : i32
      %ne3A_202 = arith.cmpi ne, %arg0, %ne3A : i32
      %convert_element_type3A_203 = arith.extui %ne3A_202 : i1 to i32
      %cond3A_204 = arith.constant 0 : i32
      %cond3A_205 = arith.cmpi ne, %convert_element_type3A_203, %cond3A_204 : i32
      scf.if %cond3A_205 {
        %get3A_206 = arith.constant 0 : index
        %get3A_207 = arith.constant 0 : index
        %get3A_208 = vector.load %arg17[%get3A_206, %get3A_207] : memref<1x1024xf32, #tpu.memory_space<vmem>>, vector<1x1024xf32>
        %add3A_209 = arith.addf %get3A_208, %add3A_168 : vector<1x1024xf32>
        %swap3A_210 = arith.constant 0 : index
        %swap3A_211 = arith.constant 0 : index
        %swap3A_212 = vector.load %arg17[%swap3A_210, %swap3A_211] : memref<1x1024xf32, #tpu.memory_space<vmem>>, vector<1x1024xf32>
        tpu.vector_store %arg17[%swap3A_210, %swap3A_211], %add3A_209 {strides = array<i32>} : memref<1x1024xf32, #tpu.memory_space<vmem>>, vector<1x1024xf32>,
        %get3A_213 = arith.constant 0 : index
        %get3A_214 = arith.constant 0 : index
        %get3A_215 = vector.load %arg18[%get3A_213, %get3A_214] : memref<1024x64xf32, #tpu.memory_space<vmem>>, vector<1024x64xf32>
        %add3A_216 = arith.addf %get3A_215, %add3A_171 : vector<1024x64xf32>
        %swap3A_217 = arith.constant 0 : index
        %swap3A_218 = arith.constant 0 : index
        %swap3A_219 = vector.load %arg18[%swap3A_217, %swap3A_218] : memref<1024x64xf32, #tpu.memory_space<vmem>>, vector<1024x64xf32>
        tpu.vector_store %arg18[%swap3A_217, %swap3A_218], %add3A_216 {strides = array<i32>} : memref<1024x64xf32, #tpu.memory_space<vmem>>, vector<1024x64xf32>,
      } else {
      }
    } else {
    }
    %ge3A = arith.constant 16 : i32
    %ge3A_6 = arith.cmpi sge, %arg0, %ge3A : i32
    %convert_element_type3A_7 = arith.extui %ge3A_6 : i1 to i32
    %cond3A_8 = arith.constant 0 : i32
    %cond3A_9 = arith.cmpi ne, %convert_element_type3A_7, %cond3A_8 : i32
    scf.if %cond3A_9 {
      %sub3A = arith.constant 16 : i32
      %sub3A_10 = arith.subi %arg0, %sub3A : i32
      %eq3A_11 = arith.constant 0 : i32
      %eq3A_12 = arith.cmpi eq, %sub3A_10, %eq3A_11 : i32
      %convert_element_type3A_13 = arith.extui %eq3A_12 : i1 to i32
      %cond3A_14 = arith.constant 0 : i32
      %cond3A_15 = arith.cmpi ne, %convert_element_type3A_13, %cond3A_14 : i32
      scf.if %cond3A_15 {
        %iota3A = tpu.iota {dimensions = array<i32: 0>} : vector<1024x1000xi32>
        %get3A_196 = arith.constant 0 : index
        %get3A_197 = arith.constant 0 : index
        %get3A_198 = vector.load %arg5[%get3A_196, %get3A_197] : memref<1x1000xi32, #tpu.memory_space<vmem>>, vector<1x1000xi32>
        %eq3A_199 = vector.broadcast %get3A_198 : vector<1x1000xi32> to vector<1024x1000xi32>
        %eq3A_200 = arith.cmpi eq, %iota3A, %eq3A_199 : vector<1024x1000xi32>
        %convert_element_type3A_201 = arith.extui %eq3A_200 : vector<1024x1000xi1> to vector<1024x1000xi32>
        %convert_element_type3A_202 = arith.sitofp %convert_element_type3A_201 : vector<1024x1000xi32> to vector<1024x1000xf32>
        %get3A_203 = arith.constant 0 : index
        %get3A_204 = arith.constant 0 : index
        %get3A_205 = vector.load %arg17[%get3A_203, %get3A_204] : memref<1x1024xf32, #tpu.memory_space<vmem>>, vector<1x1024xf32>
        %dot_general3A_206 = arith.constant dense<0.000000e+00> : vector<1000x1xf32>
        %dot_general3A_207 = tpu.matmul %convert_element_type3A_202, %get3A_205, %dot_general3A_206 {dimension_numbers = #tpu.dot_dimension_numbers<[0], [1], [1], [0], [0, 1, 1, 0], [], []>, transpose_lhs_hint = false} : vector<1024x1000xf32>, vector<1x1024xf32>, vector<1000x1xf32> -> vector<1000x1xf32>
        %get3A_208 = arith.constant 0 : index
        %get3A_209 = arith.constant 0 : index
        %get3A_210 = vector.load %arg18[%get3A_208, %get3A_209] : memref<1024x64xf32, #tpu.memory_space<vmem>>, vector<1024x64xf32>
        %dot_general3A_211 = arith.constant dense<0.000000e+00> : vector<1000x64xf32>
        %dot_general3A_212 = tpu.matmul %convert_element_type3A_202, %get3A_210, %dot_general3A_211 {dimension_numbers = #tpu.dot_dimension_numbers<[0], [0], [1], [1], [0, 1, 1, 1], [], []>, transpose_lhs_hint = false} : vector<1024x1000xf32>, vector<1024x64xf32>, vector<1000x64xf32> -> vector<1000x64xf32>
        %get3A_213 = arith.constant 0 : index
        %get3A_214 = arith.constant 0 : index
        %get3A_215 = vector.load %arg16[%get3A_213, %get3A_214] : memref<4096x1xf32, #tpu.memory_space<vmem>>, vector<4096x1xf32>
        %concatenate3A = tpu.concatenate %dot_general3A_207, %get3A_215 in 0 : vector<1000x1xf32>, vector<4096x1xf32> -> vector<5096x1xf32>
        %gt3A_216 = arith.constant 0.000000e+00 : f32
        %gt3A_217 = vector.broadcast %gt3A_216 : f32 to vector<5096x1xf32>
        %gt3A_218 = arith.cmpf ogt, %concatenate3A, %gt3A_217 : vector<5096x1xf32>
        %gt3A_219 = arith.constant 0.000000e+00 : f32
        %gt3A_220 = vector.broadcast %gt3A_219 : f32 to vector<5096x1xf32>
        %gt3A_221 = arith.cmpf ogt, %concatenate3A, %gt3A_220 : vector<5096x1xf32>
        %jit3A_222 = arith.constant 1.000000e+00 : f32
        %broadcast_in_dim3A_223 = vector.broadcast %jit3A_222 : f32 to vector<5096x1xf32>
        %select_n3A_224 = arith.select %gt3A_221, %concatenate3A, %broadcast_in_dim3A_223 : vector<5096x1xi1>, vector<5096x1xf32>
        %div3A_225 = arith.constant 1.000000e+00 : f32
        %div3A_226 = vector.broadcast %div3A_225 : f32 to vector<5096x1xf32>
        %div3A_227 = arith.divf %div3A_226, %select_n3A_224 : vector<5096x1xf32>
        %jit3A_228 = arith.constant 0.000000e+00 : f32
        %broadcast_in_dim3A_229 = vector.broadcast %jit3A_228 : f32 to vector<5096x1xf32>
        %select_n3A_230 = arith.select %gt3A_218, %div3A_227, %broadcast_in_dim3A_229 : vector<5096x1xi1>, vector<5096x1xf32>
        %slice3A = vector.extract_strided_slice %select_n3A_230 {offsets = [0, 0], sizes = [4096, 1], strides = [1, 1]} : vector<5096x1xf32> to vector<4096x1xf32>
        %slice3A_231 = vector.extract_strided_slice %select_n3A_230 {offsets = [4096, 0], sizes = [1000, 1], strides = [1, 1]} : vector<5096x1xf32> to vector<1000x1xf32>
        %get3A_232 = arith.constant 0 : index
        %get3A_233 = arith.constant 0 : index
        %get3A_234 = vector.load %arg8[%get3A_232, %get3A_233] : memref<5x64xf32, #tpu.memory_space<vmem>>, vector<5x64xf32>
        %reduce_sum3A_235 = arith.constant dense<0.000000e+00> : vector<64xf32>
        %reduce_sum3A_236 = vector.multi_reduction <add>, %get3A_234, %reduce_sum3A_235 [0] : vector<5x64xf32> to vector<64xf32>
        %broadcast_in_dim3A_237 = vector.shape_cast %reduce_sum3A_236 : vector<64xf32> to vector<1x64xf32>
        %get3A_238 = arith.constant 0 : index
        %get3A_239 = arith.constant 0 : index
        %get3A_240 = vector.load %arg15[%get3A_238, %get3A_239] : memref<4096x64xf32, #tpu.memory_space<vmem>>, vector<4096x64xf32>
        %mul3A_241 = vector.broadcast %slice3A : vector<4096x1xf32> to vector<4096x64xf32>
        %mul3A_242 = arith.mulf %get3A_240, %mul3A_241 : vector<4096x64xf32>
        %add3A_243 = vector.broadcast %broadcast_in_dim3A_237 : vector<1x64xf32> to vector<4096x64xf32>
        %add3A_244 = arith.addf %mul3A_242, %add3A_243 : vector<4096x64xf32>
        %max3A_245 = arith.constant 0.000000e+00 : f32
        %max3A_246 = vector.broadcast %max3A_245 : f32 to vector<4096x64xf32>
        %max3A_247 = arith.maximumf %add3A_244, %max3A_246 : vector<4096x64xf32>
        %mul3A_248 = vector.broadcast %slice3A_231 : vector<1000x1xf32> to vector<1000x64xf32>
        %mul3A_249 = arith.mulf %dot_general3A_212, %mul3A_248 : vector<1000x64xf32>
        %add3A_250 = vector.broadcast %broadcast_in_dim3A_237 : vector<1x64xf32> to vector<1000x64xf32>
        %add3A_251 = arith.addf %mul3A_249, %add3A_250 : vector<1000x64xf32>
        %max3A_252 = arith.constant 0.000000e+00 : f32
        %max3A_253 = vector.broadcast %max3A_252 : f32 to vector<1000x64xf32>
        %max3A_254 = arith.maximumf %add3A_251, %max3A_253 : vector<1000x64xf32>
        %get3A_255 = arith.constant 0 : index
        %get3A_256 = arith.constant 0 : index
        %get3A_257 = vector.load %arg6[%get3A_255, %get3A_256] : memref<64x32xf32, #tpu.memory_space<vmem>>, vector<64x32xf32>
        %get3A_258 = arith.constant 0 : index
        %get3A_259 = arith.constant 0 : index
        %get3A_260 = vector.load %arg7[%get3A_258, %get3A_259] : memref<1x32xf32, #tpu.memory_space<vmem>>, vector<1x32xf32>
        %dot_general3A_261 = arith.constant dense<0.000000e+00> : vector<4096x32xf32>
        %dot_general3A_262 = tpu.matmul %max3A_247, %get3A_257, %dot_general3A_261 {dimension_numbers = #tpu.dot_dimension_numbers<[1], [0], [0], [1], [0, 0, 1, 1], [], []>, transpose_lhs_hint = false} : vector<4096x64xf32>, vector<64x32xf32>, vector<4096x32xf32> -> vector<4096x32xf32>
        %add3A_263 = vector.broadcast %get3A_260 : vector<1x32xf32> to vector<4096x32xf32>
        %add3A_264 = arith.addf %dot_general3A_262, %add3A_263 : vector<4096x32xf32>
        %logistic3A = arith.negf %add3A_264 : vector<4096x32xf32>
        %logistic3A_265 = math.exp %logistic3A : vector<4096x32xf32>
        %logistic3A_266 = arith.constant 1.000000e+00 : f32
        %logistic3A_267 = vector.broadcast %logistic3A_266 : f32 to vector<4096x32xf32>
        %logistic3A_268 = arith.addf %logistic3A_267, %logistic3A_265 : vector<4096x32xf32>
        %logistic3A_269 = arith.divf %logistic3A_267, %logistic3A_268 : vector<4096x32xf32>
        %swap3A_270 = arith.constant 0 : index
        %swap3A_271 = arith.constant 0 : index
        %swap3A_272 = vector.load %arg20[%swap3A_270, %swap3A_271] : memref<4096x32xf32, #tpu.memory_space<vmem>>, vector<4096x32xf32>
        tpu.vector_store %arg20[%swap3A_270, %swap3A_271], %logistic3A_269 {strides = array<i32>} : memref<4096x32xf32, #tpu.memory_space<vmem>>, vector<4096x32xf32>,
        %dot_general3A_273 = arith.constant dense<0.000000e+00> : vector<1000x32xf32>
        %dot_general3A_274 = tpu.matmul %max3A_254, %get3A_257, %dot_general3A_273 {dimension_numbers = #tpu.dot_dimension_numbers<[1], [0], [0], [1], [0, 0, 1, 1], [], []>, transpose_lhs_hint = false} : vector<1000x64xf32>, vector<64x32xf32>, vector<1000x32xf32> -> vector<1000x32xf32>
        %add3A_275 = vector.broadcast %get3A_260 : vector<1x32xf32> to vector<1000x32xf32>
        %add3A_276 = arith.addf %dot_general3A_274, %add3A_275 : vector<1000x32xf32>
        %logistic3A_277 = arith.negf %add3A_276 : vector<1000x32xf32>
        %logistic3A_278 = math.exp %logistic3A_277 : vector<1000x32xf32>
        %logistic3A_279 = arith.constant 1.000000e+00 : f32
        %logistic3A_280 = vector.broadcast %logistic3A_279 : f32 to vector<1000x32xf32>
        %logistic3A_281 = arith.addf %logistic3A_280, %logistic3A_278 : vector<1000x32xf32>
        %logistic3A_282 = arith.divf %logistic3A_280, %logistic3A_281 : vector<1000x32xf32>
        %swap3A_283 = arith.constant 0 : index
        %swap3A_284 = arith.constant 0 : index
        %swap3A_285 = vector.load %arg21[%swap3A_283, %swap3A_284] : memref<1000x32xf32, #tpu.memory_space<vmem>>, vector<1000x32xf32>
        tpu.vector_store %arg21[%swap3A_283, %swap3A_284], %logistic3A_282 {strides = array<i32>} : memref<1000x32xf32, #tpu.memory_space<vmem>>, vector<1000x32xf32>,
      } else {
      }
      %mul3A = arith.constant 256 : i32
      %mul3A_16 = arith.muli %sub3A_10, %mul3A : i32
      %get3A = arith.index_cast %mul3A_16 : i32 to index
      %get3A_17 = arith.constant 0 : index
      %get3A_18 = vector.load %arg20[%get3A, %get3A_17] : memref<4096x32xf32, #tpu.memory_space<vmem>>, vector<256x32xf32>
      %get3A_19 = arith.constant 0 : index
      %get3A_20 = arith.constant 0 : index
      %get3A_21 = vector.load %arg21[%get3A_19, %get3A_20] : memref<1000x32xf32, #tpu.memory_space<vmem>>, vector<1000x32xf32>
      %get3A_22 = arith.constant 0 : index
      %get3A_23 = arith.constant 0 : index
      %get3A_24 = arith.constant 0 : index
      %get3A_25 = vector.load %arg9[%get3A_22, %get3A_23, %get3A_24] : memref<5x32x32xf32, #tpu.memory_space<vmem>>, vector<1x32x32xf32>
      %get3A_26 = vector.shape_cast %get3A_25 : vector<1x32x32xf32> to vector<32x32xf32>
      %dot_general3A = arith.constant dense<0.000000e+00> : vector<256x32xf32>
      %dot_general3A_27 = tpu.matmul %get3A_18, %get3A_26, %dot_general3A {dimension_numbers = #tpu.dot_dimension_numbers<[1], [0], [0], [1], [0, 0, 1, 1], [], []>, transpose_lhs_hint = false} : vector<256x32xf32>, vector<32x32xf32>, vector<256x32xf32> -> vector<256x32xf32>
      %dot_general3A_28 = arith.constant dense<0.000000e+00> : vector<256x1000xf32>
      %dot_general3A_29 = tpu.matmul %dot_general3A_27, %get3A_21, %dot_general3A_28 {dimension_numbers = #tpu.dot_dimension_numbers<[1], [1], [0], [0], [0, 0, 1, 0], [], []>, transpose_lhs_hint = false} : vector<256x32xf32>, vector<1000x32xf32>, vector<256x1000xf32> -> vector<256x1000xf32>
      %get3A_30 = arith.constant 1 : index
      %get3A_31 = arith.constant 0 : index
      %get3A_32 = arith.constant 0 : index
      %get3A_33 = vector.load %arg9[%get3A_30, %get3A_31, %get3A_32] : memref<5x32x32xf32, #tpu.memory_space<vmem>>, vector<1x32x32xf32>
      %get3A_34 = vector.shape_cast %get3A_33 : vector<1x32x32xf32> to vector<32x32xf32>
      %dot_general3A_35 = arith.constant dense<0.000000e+00> : vector<256x32xf32>
      %dot_general3A_36 = tpu.matmul %get3A_18, %get3A_34, %dot_general3A_35 {dimension_numbers = #tpu.dot_dimension_numbers<[1], [0], [0], [1], [0, 0, 1, 1], [], []>, transpose_lhs_hint = false} : vector<256x32xf32>, vector<32x32xf32>, vector<256x32xf32> -> vector<256x32xf32>
      %dot_general3A_37 = arith.constant dense<0.000000e+00> : vector<256x1000xf32>
      %dot_general3A_38 = tpu.matmul %dot_general3A_36, %get3A_21, %dot_general3A_37 {dimension_numbers = #tpu.dot_dimension_numbers<[1], [1], [0], [0], [0, 0, 1, 0], [], []>, transpose_lhs_hint = false} : vector<256x32xf32>, vector<1000x32xf32>, vector<256x1000xf32> -> vector<256x1000xf32>
      %get3A_39 = arith.constant 2 : index
      %get3A_40 = arith.constant 0 : index
      %get3A_41 = arith.constant 0 : index
      %get3A_42 = vector.load %arg9[%get3A_39, %get3A_40, %get3A_41] : memref<5x32x32xf32, #tpu.memory_space<vmem>>, vector<1x32x32xf32>
      %get3A_43 = vector.shape_cast %get3A_42 : vector<1x32x32xf32> to vector<32x32xf32>
      %dot_general3A_44 = arith.constant dense<0.000000e+00> : vector<256x32xf32>
      %dot_general3A_45 = tpu.matmul %get3A_18, %get3A_43, %dot_general3A_44 {dimension_numbers = #tpu.dot_dimension_numbers<[1], [0], [0], [1], [0, 0, 1, 1], [], []>, transpose_lhs_hint = false} : vector<256x32xf32>, vector<32x32xf32>, vector<256x32xf32> -> vector<256x32xf32>
      %dot_general3A_46 = arith.constant dense<0.000000e+00> : vector<256x1000xf32>
      %dot_general3A_47 = tpu.matmul %dot_general3A_45, %get3A_21, %dot_general3A_46 {dimension_numbers = #tpu.dot_dimension_numbers<[1], [1], [0], [0], [0, 0, 1, 0], [], []>, transpose_lhs_hint = false} : vector<256x32xf32>, vector<1000x32xf32>, vector<256x1000xf32> -> vector<256x1000xf32>
      %get3A_48 = arith.constant 3 : index
      %get3A_49 = arith.constant 0 : index
      %get3A_50 = arith.constant 0 : index
      %get3A_51 = vector.load %arg9[%get3A_48, %get3A_49, %get3A_50] : memref<5x32x32xf32, #tpu.memory_space<vmem>>, vector<1x32x32xf32>
      %get3A_52 = vector.shape_cast %get3A_51 : vector<1x32x32xf32> to vector<32x32xf32>
      %dot_general3A_53 = arith.constant dense<0.000000e+00> : vector<256x32xf32>
      %dot_general3A_54 = tpu.matmul %get3A_18, %get3A_52, %dot_general3A_53 {dimension_numbers = #tpu.dot_dimension_numbers<[1], [0], [0], [1], [0, 0, 1, 1], [], []>, transpose_lhs_hint = false} : vector<256x32xf32>, vector<32x32xf32>, vector<256x32xf32> -> vector<256x32xf32>
      %dot_general3A_55 = arith.constant dense<0.000000e+00> : vector<256x1000xf32>
      %dot_general3A_56 = tpu.matmul %dot_general3A_54, %get3A_21, %dot_general3A_55 {dimension_numbers = #tpu.dot_dimension_numbers<[1], [1], [0], [0], [0, 0, 1, 0], [], []>, transpose_lhs_hint = false} : vector<256x32xf32>, vector<1000x32xf32>, vector<256x1000xf32> -> vector<256x1000xf32>
      %get3A_57 = arith.constant 4 : index
      %get3A_58 = arith.constant 0 : index
      %get3A_59 = arith.constant 0 : index
      %get3A_60 = vector.load %arg9[%get3A_57, %get3A_58, %get3A_59] : memref<5x32x32xf32, #tpu.memory_space<vmem>>, vector<1x32x32xf32>
      %get3A_61 = vector.shape_cast %get3A_60 : vector<1x32x32xf32> to vector<32x32xf32>
      %dot_general3A_62 = arith.constant dense<0.000000e+00> : vector<256x32xf32>
      %dot_general3A_63 = tpu.matmul %get3A_18, %get3A_61, %dot_general3A_62 {dimension_numbers = #tpu.dot_dimension_numbers<[1], [0], [0], [1], [0, 0, 1, 1], [], []>, transpose_lhs_hint = false} : vector<256x32xf32>, vector<32x32xf32>, vector<256x32xf32> -> vector<256x32xf32>
      %dot_general3A_64 = arith.constant dense<0.000000e+00> : vector<256x1000xf32>
      %dot_general3A_65 = tpu.matmul %dot_general3A_63, %get3A_21, %dot_general3A_64 {dimension_numbers = #tpu.dot_dimension_numbers<[1], [1], [0], [0], [0, 0, 1, 0], [], []>, transpose_lhs_hint = false} : vector<256x32xf32>, vector<1000x32xf32>, vector<256x1000xf32> -> vector<256x1000xf32>
      %max3A = arith.maximumf %dot_general3A_29, %dot_general3A_38 : vector<256x1000xf32>
      %max3A_66 = arith.maximumf %max3A, %dot_general3A_47 : vector<256x1000xf32>
      %max3A_67 = arith.maximumf %max3A_66, %dot_general3A_56 : vector<256x1000xf32>
      %max3A_68 = arith.maximumf %max3A_67, %dot_general3A_65 : vector<256x1000xf32>
      %sub3A_69 = arith.subf %dot_general3A_29, %max3A_68 : vector<256x1000xf32>
      %exp3A = math.exp %sub3A_69 : vector<256x1000xf32>
      %sub3A_70 = arith.subf %dot_general3A_38, %max3A_68 : vector<256x1000xf32>
      %exp3A_71 = math.exp %sub3A_70 : vector<256x1000xf32>
      %sub3A_72 = arith.subf %dot_general3A_47, %max3A_68 : vector<256x1000xf32>
      %exp3A_73 = math.exp %sub3A_72 : vector<256x1000xf32>
      %sub3A_74 = arith.subf %dot_general3A_56, %max3A_68 : vector<256x1000xf32>
      %exp3A_75 = math.exp %sub3A_74 : vector<256x1000xf32>
      %sub3A_76 = arith.subf %dot_general3A_65, %max3A_68 : vector<256x1000xf32>
      %exp3A_77 = math.exp %sub3A_76 : vector<256x1000xf32>
      %add3A = arith.addf %exp3A, %exp3A_71 : vector<256x1000xf32>
      %add3A_78 = arith.addf %add3A, %exp3A_73 : vector<256x1000xf32>
      %add3A_79 = arith.addf %add3A_78, %exp3A_75 : vector<256x1000xf32>
      %add3A_80 = arith.addf %add3A_79, %exp3A_77 : vector<256x1000xf32>
      %broadcast_in_dim3A = arith.constant 0.000000e+00 : f32
      %broadcast_in_dim3A_81 = vector.broadcast %broadcast_in_dim3A : f32 to vector<256x1000xf32>
      %mul3A_82 = arith.constant 1.000000e+00 : f32
      %mul3A_83 = vector.broadcast %mul3A_82 : f32 to vector<256x1000xf32>
      %mul3A_84 = arith.mulf %mul3A_83, %exp3A_71 : vector<256x1000xf32>
      %add3A_85 = arith.addf %broadcast_in_dim3A_81, %mul3A_84 : vector<256x1000xf32>
      %mul3A_86 = arith.constant 2.000000e+00 : f32
      %mul3A_87 = vector.broadcast %mul3A_86 : f32 to vector<256x1000xf32>
      %mul3A_88 = arith.mulf %mul3A_87, %exp3A_73 : vector<256x1000xf32>
      %add3A_89 = arith.addf %add3A_85, %mul3A_88 : vector<256x1000xf32>
      %mul3A_90 = arith.constant 3.000000e+00 : f32
      %mul3A_91 = vector.broadcast %mul3A_90 : f32 to vector<256x1000xf32>
      %mul3A_92 = arith.mulf %mul3A_91, %exp3A_75 : vector<256x1000xf32>
      %add3A_93 = arith.addf %add3A_89, %mul3A_92 : vector<256x1000xf32>
      %mul3A_94 = arith.constant 4.000000e+00 : f32
      %mul3A_95 = vector.broadcast %mul3A_94 : f32 to vector<256x1000xf32>
      %mul3A_96 = arith.mulf %mul3A_95, %exp3A_77 : vector<256x1000xf32>
      %add3A_97 = arith.addf %add3A_93, %mul3A_96 : vector<256x1000xf32>
      %div3A = arith.divf %add3A_97, %add3A_80 : vector<256x1000xf32>
      %swap3A = arith.constant 0 : index
      %swap3A_98 = arith.constant 0 : index
      %swap3A_99 = vector.load %arg10[%swap3A, %swap3A_98] : memref<256x1000xf32, #tpu.memory_space<vmem>>, vector<256x1000xf32>
      tpu.vector_store %arg10[%swap3A, %swap3A_98], %div3A {strides = array<i32>} : memref<256x1000xf32, #tpu.memory_space<vmem>>, vector<256x1000xf32>,
      %mul3A_100 = arith.constant 256 : i32
      %mul3A_101 = arith.muli %sub3A_10, %mul3A_100 : i32
      %get3A_102 = arith.index_cast %mul3A_101 : i32 to index
      %get3A_103 = arith.constant 0 : index
      %get3A_104 = vector.load %arg19[%get3A_102, %get3A_103] : memref<4096x1000xbf16, #tpu.memory_space<vmem>>, vector<256x1000xbf16>
      %convert_element_type3A_105 = arith.extf %get3A_104 : vector<256x1000xbf16> to vector<256x1000xf32>
      %gt3A = arith.constant 5.000000e-01 : f32
      %gt3A_106 = vector.broadcast %gt3A : f32 to vector<256x1000xf32>
      %gt3A_107 = arith.cmpf ogt, %convert_element_type3A_105, %gt3A_106 : vector<256x1000xf32>
      %broadcast_in_dim3A_108 = arith.constant 0.000000e+00 : f32
      %broadcast_in_dim3A_109 = vector.broadcast %broadcast_in_dim3A_108 : f32 to vector<256x1000xf32>
      %eq3A_110 = arith.constant 1.000000e+00 : f32
      %eq3A_111 = vector.broadcast %eq3A_110 : f32 to vector<256x1000xf32>
      %eq3A_112 = arith.cmpf oeq, %convert_element_type3A_105, %eq3A_111 : vector<256x1000xf32>
      %select_n3A = arith.select %eq3A_112, %dot_general3A_29, %broadcast_in_dim3A_109 : vector<256x1000xi1>, vector<256x1000xf32>
      %eq3A_113 = arith.constant 2.000000e+00 : f32
      %eq3A_114 = vector.broadcast %eq3A_113 : f32 to vector<256x1000xf32>
      %eq3A_115 = arith.cmpf oeq, %convert_element_type3A_105, %eq3A_114 : vector<256x1000xf32>
      %select_n3A_116 = arith.select %eq3A_115, %dot_general3A_38, %select_n3A : vector<256x1000xi1>, vector<256x1000xf32>
      %eq3A_117 = arith.constant 3.000000e+00 : f32
      %eq3A_118 = vector.broadcast %eq3A_117 : f32 to vector<256x1000xf32>
      %eq3A_119 = arith.cmpf oeq, %convert_element_type3A_105, %eq3A_118 : vector<256x1000xf32>
      %select_n3A_120 = arith.select %eq3A_119, %dot_general3A_47, %select_n3A_116 : vector<256x1000xi1>, vector<256x1000xf32>
      %eq3A_121 = arith.constant 4.000000e+00 : f32
      %eq3A_122 = vector.broadcast %eq3A_121 : f32 to vector<256x1000xf32>
      %eq3A_123 = arith.cmpf oeq, %convert_element_type3A_105, %eq3A_122 : vector<256x1000xf32>
      %select_n3A_124 = arith.select %eq3A_123, %dot_general3A_56, %select_n3A_120 : vector<256x1000xi1>, vector<256x1000xf32>
      %eq3A_125 = arith.constant 5.000000e+00 : f32
      %eq3A_126 = vector.broadcast %eq3A_125 : f32 to vector<256x1000xf32>
      %eq3A_127 = arith.cmpf oeq, %convert_element_type3A_105, %eq3A_126 : vector<256x1000xf32>
      %select_n3A_128 = arith.select %eq3A_127, %dot_general3A_65, %select_n3A_124 : vector<256x1000xi1>, vector<256x1000xf32>
      %log3A = math.log %add3A_80 : vector<256x1000xf32>
      %add3A_129 = arith.addf %max3A_68, %log3A : vector<256x1000xf32>
      %sub3A_130 = arith.subf %add3A_129, %select_n3A_128 : vector<256x1000xf32>
      %jit3A = arith.constant 0.000000e+00 : f32
      %broadcast_in_dim3A_131 = vector.broadcast %jit3A : f32 to vector<256x1000xf32>
      %select_n3A_132 = arith.select %gt3A_107, %sub3A_130, %broadcast_in_dim3A_131 : vector<256x1000xi1>, vector<256x1000xf32>
      %broadcast_in_dim3A_133 = arith.constant 0.000000e+00 : f32
      %broadcast_in_dim3A_134 = vector.broadcast %broadcast_in_dim3A_133 : f32 to vector<256x1000xf32>
      %gt3A_135 = arith.cmpf ogt, %dot_general3A_38, %dot_general3A_29 : vector<256x1000xf32>
      %select_n3A_136 = arith.select %gt3A_135, %dot_general3A_38, %dot_general3A_29 : vector<256x1000xi1>, vector<256x1000xf32>
      %jit3A_137 = arith.constant 1.000000e+00 : f32
      %broadcast_in_dim3A_138 = vector.broadcast %jit3A_137 : f32 to vector<256x1000xf32>
      %select_n3A_139 = arith.select %gt3A_135, %broadcast_in_dim3A_138, %broadcast_in_dim3A_134 : vector<256x1000xi1>, vector<256x1000xf32>
      %gt3A_140 = arith.cmpf ogt, %dot_general3A_47, %select_n3A_136 : vector<256x1000xf32>
      %select_n3A_141 = arith.select %gt3A_140, %dot_general3A_47, %select_n3A_136 : vector<256x1000xi1>, vector<256x1000xf32>
      %jit3A_142 = arith.constant 2.000000e+00 : f32
      %broadcast_in_dim3A_143 = vector.broadcast %jit3A_142 : f32 to vector<256x1000xf32>
      %select_n3A_144 = arith.select %gt3A_140, %broadcast_in_dim3A_143, %select_n3A_139 : vector<256x1000xi1>, vector<256x1000xf32>
      %gt3A_145 = arith.cmpf ogt, %dot_general3A_56, %select_n3A_141 : vector<256x1000xf32>
      %select_n3A_146 = arith.select %gt3A_145, %dot_general3A_56, %select_n3A_141 : vector<256x1000xi1>, vector<256x1000xf32>
      %jit3A_147 = arith.constant 3.000000e+00 : f32
      %broadcast_in_dim3A_148 = vector.broadcast %jit3A_147 : f32 to vector<256x1000xf32>
      %select_n3A_149 = arith.select %gt3A_145, %broadcast_in_dim3A_148, %select_n3A_144 : vector<256x1000xi1>, vector<256x1000xf32>
      %gt3A_150 = arith.cmpf ogt, %dot_general3A_65, %select_n3A_146 : vector<256x1000xf32>
      %jit3A_151 = arith.constant 4.000000e+00 : f32
      %broadcast_in_dim3A_152 = vector.broadcast %jit3A_151 : f32 to vector<256x1000xf32>
      %select_n3A_153 = arith.select %gt3A_150, %broadcast_in_dim3A_152, %select_n3A_149 : vector<256x1000xi1>, vector<256x1000xf32>
      %sub3A_154 = arith.constant 1.000000e+00 : f32
      %sub3A_155 = vector.broadcast %sub3A_154 : f32 to vector<256x1000xf32>
      %sub3A_156 = arith.subf %convert_element_type3A_105, %sub3A_155 : vector<256x1000xf32>
      %eq3A_157 = arith.cmpf oeq, %select_n3A_153, %sub3A_156 : vector<256x1000xf32>
      %and3A = arith.andi %gt3A_107, %eq3A_157 : vector<256x1000xi1>
      %jit3A_158 = arith.constant 1.000000e+00 : f32
      %jit3A_159 = arith.constant 0.000000e+00 : f32
      %broadcast_in_dim3A_160 = vector.broadcast %jit3A_158 : f32 to vector<256x1000xf32>
      %broadcast_in_dim3A_161 = vector.broadcast %jit3A_159 : f32 to vector<256x1000xf32>
      %select_n3A_162 = arith.select %and3A, %broadcast_in_dim3A_160, %broadcast_in_dim3A_161 : vector<256x1000xi1>, vector<256x1000xf32>
      %reduce_sum3A = vector.shape_cast %select_n3A_132 : vector<256x1000xf32> to vector<1x256x1000xf32>
      %reduce_sum3A_163 = arith.constant dense<0.000000e+00> : vector<1xf32>
      %reduce_sum3A_164 = vector.multi_reduction <add>, %reduce_sum3A, %reduce_sum3A_163 [1, 2] : vector<1x256x1000xf32> to vector<1xf32>
      %reduce_sum3A_165 = vector.shape_cast %reduce_sum3A_164 : vector<1xf32> to vector<1x1x1xf32>
      %reduce_sum3A_166 = vector.extract %reduce_sum3A_165[0, 0, 0] : f32 from vector<1x1x1xf32>
      %jit3A_167 = arith.constant 1.000000e+00 : f32
      %jit3A_168 = arith.constant 0.000000e+00 : f32
      %broadcast_in_dim3A_169 = vector.broadcast %jit3A_167 : f32 to vector<256x1000xf32>
      %broadcast_in_dim3A_170 = vector.broadcast %jit3A_168 : f32 to vector<256x1000xf32>
      %select_n3A_171 = arith.select %gt3A_107, %broadcast_in_dim3A_169, %broadcast_in_dim3A_170 : vector<256x1000xi1>, vector<256x1000xf32>
      %reduce_sum3A_172 = vector.shape_cast %select_n3A_171 : vector<256x1000xf32> to vector<1x256x1000xf32>
      %reduce_sum3A_173 = arith.constant dense<0.000000e+00> : vector<1xf32>
      %reduce_sum3A_174 = vector.multi_reduction <add>, %reduce_sum3A_172, %reduce_sum3A_173 [1, 2] : vector<1x256x1000xf32> to vector<1xf32>
      %reduce_sum3A_175 = vector.shape_cast %reduce_sum3A_174 : vector<1xf32> to vector<1x1x1xf32>
      %reduce_sum3A_176 = vector.extract %reduce_sum3A_175[0, 0, 0] : f32 from vector<1x1x1xf32>
      %reduce_sum3A_177 = vector.shape_cast %select_n3A_162 : vector<256x1000xf32> to vector<1x256x1000xf32>
      %reduce_sum3A_178 = arith.constant dense<0.000000e+00> : vector<1xf32>
      %reduce_sum3A_179 = vector.multi_reduction <add>, %reduce_sum3A_177, %reduce_sum3A_178 [1, 2] : vector<1x256x1000xf32> to vector<1xf32>
      %reduce_sum3A_180 = vector.shape_cast %reduce_sum3A_179 : vector<1xf32> to vector<1x1x1xf32>
      %reduce_sum3A_181 = vector.extract %reduce_sum3A_180[0, 0, 0] : f32 from vector<1x1x1xf32>
      %eq3A_182 = arith.constant 0 : i32
      %eq3A_183 = arith.cmpi eq, %sub3A_10, %eq3A_182 : i32
      %convert_element_type3A_184 = arith.extui %eq3A_183 : i1 to i32
      %cond3A_185 = arith.constant 0 : i32
      %cond3A_186 = arith.cmpi ne, %convert_element_type3A_184, %cond3A_185 : i32
      scf.if %cond3A_186 {
        %swap3A_196 = arith.constant 0 : index
        %swap3A_197 = memref.load %arg22[%swap3A_196] : memref<3xf32, #tpu.memory_space<smem>>
        memref.store %reduce_sum3A_166, %arg22[%swap3A_196] : memref<3xf32, #tpu.memory_space<smem>>
        %swap3A_198 = arith.constant 1 : index
        %swap3A_199 = memref.load %arg22[%swap3A_198] : memref<3xf32, #tpu.memory_space<smem>>
        memref.store %reduce_sum3A_176, %arg22[%swap3A_198] : memref<3xf32, #tpu.memory_space<smem>>
        %swap3A_200 = arith.constant 2 : index
        %swap3A_201 = memref.load %arg22[%swap3A_200] : memref<3xf32, #tpu.memory_space<smem>>
        memref.store %reduce_sum3A_181, %arg22[%swap3A_200] : memref<3xf32, #tpu.memory_space<smem>>
      } else {
      }
      %ne3A = arith.constant 0 : i32
      %ne3A_187 = arith.cmpi ne, %sub3A_10, %ne3A : i32
      %convert_element_type3A_188 = arith.extui %ne3A_187 : i1 to i32
      %cond3A_189 = arith.constant 0 : i32
      %cond3A_190 = arith.cmpi ne, %convert_element_type3A_188, %cond3A_189 : i32
      scf.if %cond3A_190 {
        %get3A_196 = arith.constant 0 : index
        %get3A_197 = memref.load %arg22[%get3A_196] : memref<3xf32, #tpu.memory_space<smem>>
        %add3A_198 = arith.addf %get3A_197, %reduce_sum3A_166 : f32
        %swap3A_199 = arith.constant 0 : index
        %swap3A_200 = memref.load %arg22[%swap3A_199] : memref<3xf32, #tpu.memory_space<smem>>
        memref.store %add3A_198, %arg22[%swap3A_199] : memref<3xf32, #tpu.memory_space<smem>>
        %get3A_201 = arith.constant 1 : index
        %get3A_202 = memref.load %arg22[%get3A_201] : memref<3xf32, #tpu.memory_space<smem>>
        %add3A_203 = arith.addf %get3A_202, %reduce_sum3A_176 : f32
        %swap3A_204 = arith.constant 1 : index
        %swap3A_205 = memref.load %arg22[%swap3A_204] : memref<3xf32, #tpu.memory_space<smem>>
        memref.store %add3A_203, %arg22[%swap3A_204] : memref<3xf32, #tpu.memory_space<smem>>
        %get3A_206 = arith.constant 2 : index
        %get3A_207 = memref.load %arg22[%get3A_206] : memref<3xf32, #tpu.memory_space<smem>>
        %add3A_208 = arith.addf %get3A_207, %reduce_sum3A_181 : f32
        %swap3A_209 = arith.constant 2 : index
        %swap3A_210 = memref.load %arg22[%swap3A_209] : memref<3xf32, #tpu.memory_space<smem>>
        memref.store %add3A_208, %arg22[%swap3A_209] : memref<3xf32, #tpu.memory_space<smem>>
      } else {
      }
      %eq3A_191 = arith.constant 15 : i32
      %eq3A_192 = arith.cmpi eq, %sub3A_10, %eq3A_191 : i32
      %convert_element_type3A_193 = arith.extui %eq3A_192 : i1 to i32
      %cond3A_194 = arith.constant 0 : i32
      %cond3A_195 = arith.cmpi ne, %convert_element_type3A_193, %cond3A_194 : i32
      scf.if %cond3A_195 {
        %get3A_196 = arith.constant 1 : index
        %get3A_197 = memref.load %arg22[%get3A_196] : memref<3xf32, #tpu.memory_space<smem>>
        %max3A_198 = arith.constant 1.000000e+00 : f32
        %max3A_199 = arith.maximumf %get3A_197, %max3A_198 : f32
        %get3A_200 = arith.constant 0 : index
        %get3A_201 = memref.load %arg22[%get3A_200] : memref<3xf32, #tpu.memory_space<smem>>
        %div3A_202 = arith.divf %get3A_201, %max3A_199 : f32
        %broadcast_in_dim3A_203 = vector.broadcast %div3A_202 : f32 to vector<1x1xf32>
        %swap3A_204 = arith.constant 0 : index
        %swap3A_205 = arith.constant 0 : index
        %swap3A_206 = vector.load %arg11[%swap3A_204, %swap3A_205] : memref<1x1xf32, #tpu.memory_space<vmem>>, vector<1x1xf32>
        tpu.vector_store %arg11[%swap3A_204, %swap3A_205], %broadcast_in_dim3A_203 {strides = array<i32>} : memref<1x1xf32, #tpu.memory_space<vmem>>, vector<1x1xf32>,
        %get3A_207 = arith.constant 2 : index
        %get3A_208 = memref.load %arg22[%get3A_207] : memref<3xf32, #tpu.memory_space<smem>>
        %div3A_209 = arith.divf %get3A_208, %max3A_199 : f32
        %broadcast_in_dim3A_210 = vector.broadcast %div3A_209 : f32 to vector<1x1xf32>
        %swap3A_211 = arith.constant 0 : index
        %swap3A_212 = arith.constant 0 : index
        %swap3A_213 = vector.load %arg12[%swap3A_211, %swap3A_212] : memref<1x1xf32, #tpu.memory_space<vmem>>, vector<1x1xf32>
        tpu.vector_store %arg12[%swap3A_211, %swap3A_212], %broadcast_in_dim3A_210 {strides = array<i32>} : memref<1x1xf32, #tpu.memory_space<vmem>>, vector<1x1xf32>,
      } else {
      }
    } else {
    }
    return
  }
  func.func @transform_0(%arg0: i32) -> (i32, i32) {
    %min3A = arith.constant 15 : i32
    %min3A_0 = arith.minsi %arg0, %min3A : i32
    %c0_i32 = arith.constant 0 : i32
    %c0_i32_1 = arith.constant 0 : i32
    return %min3A_0, %c0_i32 : i32, i32
  }
  func.func @transform_1(%arg0: i32) -> (i32, i32) {
    %min3A = arith.constant 15 : i32
    %min3A_0 = arith.minsi %arg0, %min3A : i32
    %c0_i32 = arith.constant 0 : i32
    %c0_i32_1 = arith.constant 0 : i32
    return %min3A_0, %c0_i32 : i32, i32
  }
  func.func @transform_2(%arg0: i32) -> (i32, i32) {
    %c0_i32 = arith.constant 0 : i32
    %c0_i32_0 = arith.constant 0 : i32
    %c0_i32_1 = arith.constant 0 : i32
    return %c0_i32, %c0_i32_0 : i32, i32
  }
  func.func @transform_3(%arg0: i32) -> (i32, i32, i32) {
    %c0_i32 = arith.constant 0 : i32
    %c0_i32_0 = arith.constant 0 : i32
    %c0_i32_1 = arith.constant 0 : i32
    %c0_i32_2 = arith.constant 0 : i32
    return %c0_i32, %c0_i32_0, %c0_i32_1 : i32, i32, i32
  }
  func.func @transform_4(%arg0: i32) -> (i32, i32) {
    %c0_i32 = arith.constant 0 : i32
    %c0_i32_0 = arith.constant 0 : i32
    %c0_i32_1 = arith.constant 0 : i32
    return %c0_i32, %c0_i32_0 : i32, i32
  }
  func.func @transform_5(%arg0: i32) -> (i32, i32) {
    %c0_i32 = arith.constant 0 : i32
    %c0_i32_0 = arith.constant 0 : i32
    %c0_i32_1 = arith.constant 0 : i32
    return %c0_i32, %c0_i32_0 : i32, i32
  }
  func.func @transform_6(%arg0: i32) -> (i32, i32) {
    %c0_i32 = arith.constant 0 : i32
    %c0_i32_0 = arith.constant 0 : i32
    %c0_i32_1 = arith.constant 0 : i32
    return %c0_i32, %c0_i32_0 : i32, i32
  }
  func.func @transform_7(%arg0: i32) -> (i32, i32) {
    %c0_i32 = arith.constant 0 : i32
    %c0_i32_0 = arith.constant 0 : i32
    %c0_i32_1 = arith.constant 0 : i32
    return %c0_i32, %c0_i32_0 : i32, i32
  }
  func.func @transform_8(%arg0: i32) -> (i32, i32, i32) {
    %c0_i32 = arith.constant 0 : i32
    %c0_i32_0 = arith.constant 0 : i32
    %c0_i32_1 = arith.constant 0 : i32
    %c0_i32_2 = arith.constant 0 : i32
    return %c0_i32, %c0_i32_0, %c0_i32_1 : i32, i32, i32
  }
  func.func @transform_9(%arg0: i32) -> (i32, i32) {
    %sub3A = arith.constant 16 : i32
    %sub3A_0 = arith.subi %arg0, %sub3A : i32
    %max3A = arith.constant 0 : i32
    %max3A_1 = arith.maxsi %sub3A_0, %max3A : i32
    %c0_i32 = arith.constant 0 : i32
    %c0_i32_2 = arith.constant 0 : i32
    return %max3A_1, %c0_i32 : i32, i32
  }
  func.func @transform_10(%arg0: i32) -> (i32, i32) {
    %c0_i32 = arith.constant 0 : i32
    %c0_i32_0 = arith.constant 0 : i32
    %c0_i32_1 = arith.constant 0 : i32
    return %c0_i32, %c0_i32_0 : i32, i32
  }
  func.func @transform_11(%arg0: i32) -> (i32, i32) {
    %c0_i32 = arith.constant 0 : i32
    %c0_i32_0 = arith.constant 0 : i32
    %c0_i32_1 = arith.constant 0 : i32
    return %c0_i32, %c0_i32_0 : i32, i32
  }
}

</mosaic_0001>

<sc_bundles>
// kernel: kernel.5.cloned.1.call-start
scs
__scs_entry_jumppad:
0x0: {  	(pc) =	sbr.rel $0x88, $3  }
0x1: {  	(tag) =	ssettag $0x0;
	lr =	simm.s32 $0x1  }
0x2: {  	[smem:$0x3F97] =	sst lr;
	_ =	strace $0xD0000000  }
0x3: {  	_ = 	snop  }
0x4: {  	_ = 	snop  }
0x5: {  	_ = 	snop  }
0x6: {  	_ = 	snop  }
0x7: {  	_ = 	snop  }
__scs_overlays_trampoline_lowered:
0x8: {  	[smem:$0x3FA6] =	sst s0  }
0x9: {  	[smem:$0x3FA7] =	sst s1  }
0xa: {  	[smem:$0x3FA8] =	sst s2  }
0xb: {  	[smem:$0x3FA9] =	sst s3  }
0xc: {  	[smem:$0x3FAA] =	sst s4  }
0xd: {  	[smem:$0x3FAB] =	sst s5  }
0xe: {  	[smem:$0x3FAC] =	sst s6  }
0xf: {  	[smem:$0x3FAD] =	sst s7  }
0x10: {  	[smem:$0x3FAE] =	sst s8  }
0x11: {  	[smem:$0x3FAF] =	sst s9;
	s0 =	simm.s32 @!p0 $0x0  }
0x12: {  	s1 =	sld [smem:$0x3F95];
	s0 =	simm.s32 @p0 $0x1  }
0x13: {  	[smem:$0x3FB0] =	sst s0;
	s0 =	simm.s32 @!p1 $0x0  }
0x14: {  	s2 =	sld [smem:$0x3F94];
	s0 =	simm.s32 @p1 $0x1  }
0x15: {  	[smem:$0x3FB1] =	sst s0;
	s0 =	simm.s32 @!p2 $0x0  }
0x16: {  	s3 =	sld [smem:$0x3FDB];
	s0 =	simm.s32 @p2 $0x1  }
0x17: {  	s4 =	simm.s32 $0x1BF5;
	[smem:$0x3FB3] =	sst s0  }
0x18: {  	s0 =	sld [smem:$0x3F96];
	_ =	swait.ge [sflag:s4], $0x0  }
0x19: {  	s7 =	sld [smem:$0x3F97]  }
0x1a: {  	s8 =	sadd.s32 $0xFFFFE003, lr  }
0x1b: {  	s9 =	sadd.s32 $0xFFFFFEF7, lr;
	s5 =	simm.s32 $0xFFFFFFFF;
	p2 =	slt.u32 s8, $0xFFFFF086  }
0x1c: {  	p1 =	slt.u32 s9, $0xF7A;
	s5 =	simm.s32 @!p2 $0x0  }
0x1d: {  	s5 =	simm.s32 @p1 $0x1;
	p0 =	seq.s32 s7, s2  }
0x1e: {  	s7 =	smul.u32 @!p0 $0xF7A, s2;
	p2 =	seq.s32 @!p0 s5, $0x0  }
0x1f: {  	s9 =	smul.u32 $0xF7A, s1;
	s8 =	simm.s32 @!p0 $0x1BF5;
	p2 =	por !p2, p0  }
0x20: {  	[sflag:s8] =	ssyncset.s32 @!p0 $0xFFFFF086;
	s6 =	sadd.s32 @!p0 s3, s7;
	s7 =	simm.s32 @!p0 $0x108  }
0x21: {  	s3 =	sadd.s32 s3, s9;
	s6 =	sadd.s32 @!p0 $0x88, s6;
	s7 =	simm.s32 @p2 $0x1082  }
0x22: {  	[simem:s7], [sflag:s8] =	dma.local @!p0 [hbm:s6], $0xF7A  }
0x23: {  	s9 =	sor.u32 $0xD0000000, s2;
	s6 =	simm.s32 $0x108;
	_ =	swait.ge @!p0 [sflag:s8], $0x0  }
0x24: {  	s3 =	sadd.s32 $0x88, s3;
	s6 =	simm.s32 @!p1 $0x1082;
	[sflag:s4] =	ssyncset.s32 $0xFFFFF086  }
0x25: {  	[simem:s6], [sflag:s4] =	dma.local [hbm:s3], $0xF7A  }
0x26: {  	[smem:$0x3F97] =	sst s1;
	(tag) =	ssettag s2;
	_ =	strace s9  }
0x27: {  	s1 =	sld [smem:$0x3FA7]  }
0x28: {  	s2 =	sld [smem:$0x3FA8]  }
0x29: {  	s4 =	sld [smem:$0x3FAA]  }
0x2a: {  	p0 =	seq.s32 s5, $0x0;
	s5 =	sld [smem:$0x3FAB]  }
0x2b: {  	s6 =	sld [smem:$0x3FAC]  }
0x2c: {  	s7 =	sld [smem:$0x3FAD]  }
0x2d: {  	s3 =	simm.s32 $0x108;
	s8 =	sld [smem:$0x3FAE]  }
0x2e: {  	s3 =	simm.s32 @!p0 $0x1082;
	s9 =	sld [smem:$0x3FAF]  }
0x2f: {  	lr =	sadd.s32 s0, s3;
	s0 =	sld [smem:$0x3FA6]  }
0x30: {  	s3 =	sld [smem:$0x3FA9]  }
0x31: {  	[smem:$0x3FB2] =	sst s10  }
0x32: {  	s10 =	sld [smem:$0x3FB0];
	_ =	sdelay $0x3  }
0x33: {  	p0 =	seq.s32 s10, $0x1;
	s10 =	sld [smem:$0x3FB2];
	_ =	sdelay $0x3  }
0x34: {  	[smem:$0x3FB2] =	sst s10  }
0x35: {  	s10 =	sld [smem:$0x3FB1];
	_ =	sdelay $0x3  }
0x36: {  	p1 =	seq.s32 s10, $0x1;
	s10 =	sld [smem:$0x3FB2];
	_ =	sdelay $0x3  }
0x37: {  	[smem:$0x3FB2] =	sst s10  }
0x38: {  	s10 =	sld [smem:$0x3FB3]  }
0x39: {  	_ = 	snop;
	(pc) =	sbr.ind lr, $3  }
0x3a: {  	_ = 	snop  }
0x3b: {  	_ = 	snop  }
0x3c: {  	p2 =	seq.s32 s10, $0x1;
	s10 =	sld [smem:$0x3FB2]  }
0x3d: {  	_ =	shalt  }
0x3e: {  	_ =	shalt  }
0x3f: {  	_ =	shalt  }
0x40: {  	_ =	shalt  }
0x41: {  	_ =	shalt  }
0x42: {  	_ =	shalt  }
0x43: {  	_ =	shalt  }
0x44: {  	_ =	shalt  }
0x45: {  	_ =	shalt  }
0x46: {  	_ =	shalt  }
0x47: {  	_ =	shalt  }
0x48: {  	_ =	shalt  }
0x49: {  	_ =	shalt  }
0x4a: {  	_ =	shalt  }
0x4b: {  	_ =	shalt  }
0x4c: {  	_ =	shalt  }
0x4d: {  	_ =	shalt  }
0x4e: {  	_ =	shalt  }
0x4f: {  	_ =	shalt  }
0x50: {  	_ =	shalt  }
0x51: {  	_ =	shalt  }
0x52: {  	_ =	shalt  }
0x53: {  	_ =	shalt  }
0x54: {  	_ =	shalt  }
0x55: {  	_ =	shalt  }
0x56: {  	_ =	shalt  }
0x57: {  	_ =	shalt  }
0x58: {  	_ =	shalt  }
0x59: {  	_ =	shalt  }
0x5a: {  	_ =	shalt  }
0x5b: {  	_ =	shalt  }
0x5c: {  	_ =	shalt  }
0x5d: {  	_ =	shalt  }
0x5e: {  	_ =	shalt  }
0x5f: {  	_ =	shalt  }
0x60: {  	_ =	shalt  }
0x61: {  	_ =	shalt  }
0x62: {  	_ =	shalt  }
0x63: {  	_ =	shalt  }
0x64: {  	_ =	shalt  }
0x65: {  	_ =	shalt  }
0x66: {  	_ =	shalt  }
0x67: {  	_ =	shalt  }
0x68: {  	_ =	shalt  }
0x69: {  	_ =	shalt  }
0x6a: {  	_ =	shalt  }
0x6b: {  	_ =	shalt  }
0x6c: {  	_ =	shalt  }
0x6d: {  	_ =	shalt  }
0x6e: {  	_ =	shalt  }
0x6f: {  	_ =	shalt  }
0x70: {  	_ =	shalt  }
0x71: {  	_ =	shalt  }
0x72: {  	_ =	shalt  }
0x73: {  	_ =	shalt  }
0x74: {  	_ =	shalt  }
0x75: {  	_ =	shalt  }
0x76: {  	_ =	shalt  }
0x77: {  	_ =	shalt  }
0x78: {  	_ =	shalt  }
0x79: {  	_ =	shalt  }
0x7a: {  	_ =	shalt  }
0x7b: {  	_ =	shalt  }
0x7c: {  	_ =	shalt  }
0x7d: {  	_ =	shalt  }
0x7e: {  	_ =	shalt  }
0x7f: {  	_ =	shalt  }
0x80: {  	_ =	shalt  }
0x81: {  	_ =	shalt  }
0x82: {  	_ =	shalt  }
0x83: {  	_ =	shalt  }
0x84: {  	_ =	shalt  }
0x85: {  	_ =	shalt  }
0x86: {  	_ =	shalt  }
0x87: {  	_ =	shalt  }
.Lfunc_end0:
.L_simem_size_0:
called_computation_lowered:
.L_overlay_start_0:
0x88: {  	s2 =	sld [smem:$0x3FD9]  }
0x89: {  	s3 =	sld [smem:$0x3FFE];
	_ =	sdelay $0x1  }
0x8a: {  	s1 =	srdreg.scid  }
0x8b: {  	s0 =	sand.u32 $0x1, s1  }
0x8c: {  	s14 =	sshll.u32 s0, $0xA;
	s2 =	sadd.s32 s3, s2  }
0x8d: {  	s2 =	sadd.s32 s2, s14  }
0x8e: {  	[smem:$0x3FBE] =	sst s2  }
0x8f: {  	_ = 	snop  }
0x90: {  	s2 =	sld [smem:$0x3FD0]  }
0x91: {  	s15 =	sld [smem:$0x3FC9]  }
0x92: {  	s4 =	sld [smem:$0x3FC7]  }
0x93: {  	s6 =	simm.s32 $0xA;
	s7 =	simm.s32 $0x10;
	s5 =	sld [smem:$0x3FC6]  }
0x94: {  	[smem:s7], [sflag:s6] =	dma.local [hbm:s2], $0x1  }
0x95: {  	_ =	swait.eq [sflag:s6], $0x1  }
0x96: {  	[sflag:s6] =	ssyncset.done $0x0  }
0x97: {  	[sflag:s6] =	ssyncadd.s32 $0xFFFFFFFF  }
0x98: {  	s16 =	sld [smem:$0x10];
	(tm) =	ssettm $0x1  }
0x99: {  	s17 =	sld [smem:$0x3FFB];
	_ =	sdelay $0x3  }
0x9a: {  	_ =	strace s17  }
0x9b: {  	s6 =	sld [smem:$0x3FFC];
	_ =	sdelay $0x3  }
0x9c: {  	_ =	strace s6  }
0x9d: {  	s6 =	sld [smem:$0x3FFD];
	_ =	sdelay $0x3  }
0x9e: {  	_ =	strace s6  }
0x9f: {  	_ =	strace $0x8FFFFFFF  }
0xa0: {  	s18 =	sld [smem:$0x3FDB];
	_ =	sdelay $0x1  }
0xa1: {  	s19 =	simm.s32 $_scs_section_size  }
0xa2: {  	s8 =	simm.s32 $_size__tile_overlayer_lowered;
	s9 =	simm.s32 $_tile_overlayer_lowered  }
0xa3: {  	s22 =	simm.s32 $0x1BFF;
	s21 =	sshll.u32 s9, $0x1;
	s6 =	sadd.s32 s19, s18  }
0xa4: {  	s10 =	simm.s32 $0x0;
	s20 =	sshll.u32 s8, $0x1;
	s8 =	sadd.s32 s21, s6  }
0xa5: {  	[timem:s10], [sflag:s22] =	dma.local [hbm:s8], s20  }
0xa6: {  	_ =	swait.ge [sflag:s22], s20  }
0xa7: {  	s7 =	ssub.s32 $0x0, s20;
	[sflag:s22] =	ssyncset.done $0x0  }
0xa8: {  	[sflag:s22] =	ssyncadd.s32 s7;
	_ =	sdelay $0x1  }
0xa9: {  	s23 =	simm.s32 $0x1B8B  }
0xaa: {  	_ =	swait.ge [sflag:s23], $0x1  }
0xab: {  	[sflag:s23] =	ssyncset.done $0x0  }
0xac: {  	s25 =	simm.s32 $0x1B8E;
	s24 =	sld [smem:$0x3FFE];
	[sflag:s23] =	ssyncadd.s32 $0xFFFFFFFF  }
0xad: {  	s26 =	simm.s32 $execute0_lowered;
	[smem:$0x3FD2] =	sst s25  }
0xae: {  	s8 =	sshll.u32 s26, $0x1;
	_ =	strace $0x80000046;
	[dreg:$0x1] =	wrdreg $0xFFFFFFFF  }
0xaf: {  	s28 =	simm.s32 $_size_execute0_lowered;
	s6 =	sadd.s32 s6, s8;
	[dreg:$0x0] =	wrdreg $0x0  }
0xb0: {  	s8 =	sshll.u32 s28, $0x1;
	[dreg:$0x2] =	wrdreg s6  }
0xb1: {  	[dreg:$0x3] =	wrdreg s8  }
0xb2: {  	[dreg:$0x4] =	wrdreg $0xC0  }
0xb3: {  	_ =	task [dreg:s10], $0x5FFFF  }
0xb4: {  	[dreg:$0x1] =	wrdreg $0xFFFFFFFF  }
0xb5: {  	[dreg:$0x0] =	wrdreg $0x60  }
0xb6: {  	[dreg:$0x2] =	wrdreg s24  }
0xb7: {  	[dreg:$0x3] =	wrdreg s15  }
0xb8: {  	[dreg:$0x4] =	wrdreg s4  }
0xb9: {  	[dreg:$0x5] =	wrdreg s5  }
0xba: {  	[dreg:$0x6] =	wrdreg s16  }
0xbb: {  	[dreg:$0x7] =	wrdreg $0x9  }
0xbc: {  	_ =	task.clear_ibuf [dreg:s10], $0x8FFFF;
	_ =	strace $0x90000046  }
0xbd: {  	s29 =	simm.s32 $0x9;
	_ =	strace $0x80000048  }
0xbe: {  	_ =	swait.ge [sflag:s29], $0x1  }
0xbf: {  	[sflag:s29] =	ssyncadd.s32 $0xFFFFFFFF  }
0xc0: {  	_ =	strace $0x90000048  }
0xc1: {  	_ =	sfence  }
0xc2: {  	s30 =	sld [smem:$0x0];
	_ =	sdelay $0x2  }
0xc3: {  	s31 =	sshll.u32 s1, $0xD;
	s1 =	sshrl.u32 s1, $0x2  }
0xc4: {  	s3 =	sand.u32 $0x4000, s31;
	s1 =	sadd.s32 s1, s30  }
0xc5: {  	s0 =	sor.u32 s3, s0;
	s1 =	sshll.u32 s1, $0x11  }
0xc6: {  	s0 =	sor.u32 s1, s0  }
0xc7: {  	s0 =	sadd.s32 $0x8F2B, s0  }
0xc8: {  	[sflag:s0] =	ssyncadd.remote.s32 $0x1  }
0xc9: {  	_ =	sfence.sel $0xFFFF  }
0xca: {  	[dreg:$0x0] =	wrdreg $0xFFFFFFFF;
	(pc) =	sbr.abs _section_cstart, $3  }
0xcb: {  	[dreg:$0x1] =	wrdreg $0xFFFFFFFF  }
0xcc: {  	_ =	task.clear_ibuf [dreg:s10], $0x2FFFF;
	_ =	strace $0x9FFFFFFF  }
0xcd: {  	(tm) =	ssettm $0x7FFFFFFF  }
tec
execute0_lowered:
.L_overlay_start_1:
0x0: {  	(tag) =	ssettag $0x1  }
0x1: {  	s0 =	rddreg [dreg:$0x0]  }
0x2: {  	s1 =	rddreg [dreg:$0x1]  }
0x3: {  	s2 =	rddreg [dreg:$0x2]  }
0x4: {  	s14 =	rddreg [dreg:$0x3];
	s15 =	srdreg.scid  }
0x5: {  	s3 =	stileid.u32;
	s4 =	rddreg [dreg:$0x4]  }
0x6: {  	s29 =	simm.s32 $0x20;
	s30 =	simm.s32 $0x100;
	s31 =	simm.s32 $0x1900  }
0x7: {  	s10 =	simm.s32 $0x3100;
	s12 =	simm.s32 $0x3900;
	[dreg:$0x6] =	wrdreg s2  }
0x8: {  	s11 =	simm.s32 $0x8100;
	s13 =	simm.s32 $0xA100;
	[dreg:$0x7] =	wrdreg s14  }
0x9: {  	s5 =	sand.u32 $0x1, s15;
	s3 =	sshll.u32 s3, $0x1;
	s2 =	simm.s32 $0x0  }
0xa: {  	s14 =	simm.s32 $0x4100;
	s15 =	simm.s32 $0x4900;
	s6 =	sor.u32 s5, s3  }
0xb: {  	[smem:$0x7FF] =	sst s2;
	s3 =	sadd.s32 $0x61C000, s0;
	s22 =	ssub.s32 $0x2, s5  }
0xc: {  	s7 =	sshll.u32 s6, $0x4;
	_ =	strace $0x80000047;
	s9 =	sshll.u32 s6, $0xE  }
0xd: {  	s16 =	sshll.u32 s6, $0xB;
	s6 =	sshll.u32 s6, $0x9;
	s5 =	sshrl.u32 s22, $0x1  }
0xe: {  	[dreg:$0x10] =	wrdreg s29;
	s8 =	sadd.s32 s7, s0;
	s1 =	sadd.s32 s1, s7  }
0xf: {  	s17 =	sadd.s32 s4, s16;
	s18 =	sadd.s32 s6, s0;
	s20 =	sadd.s32 s9, s0  }
0x10: {  	s25 =	ssub.s32 s22, s5;
	s4 =	sadd.s32 $0x61C100, s0;
	s5 =	sadd.s32 $0x61C200, s0  }
0x11: {  	s6 =	sadd.s32 $0x61C300, s0;
	s16 =	simm.s32 $0x5100;
	[dreg:$0x8] =	wrdreg s1  }
0x12: {  	s22 =	simm.s32 $0x8900;
	[dreg:$0x9] =	wrdreg s17;
	s19 =	sadd.s32 $0x1800, s8  }
0x13: {  	s21 =	sadd.s32 $0x1A00, s18;
	s23 =	sadd.s32 $0x5A00, s20;
	[dreg:$0xa] =	wrdreg s19  }
0x14: {  	s24 =	sadd.s32 $0x6A00, s20;
	s26 =	sadd.s32 $0x7A00, s20;
	[dreg:$0xb] =	wrdreg s21  }
0x15: {  	s28 =	sadd.s32 $0x8A00, s20;
	s7 =	smax.u32 s25, $0x1;
	[dreg:$0xc] =	wrdreg s23  }
0x16: {  	s8 =	simm.s32 $0x4;
	s17 =	simm.s32 $0x5900;
	[dreg:$0xd] =	wrdreg s24  }
0x17: {  	v2 =	vlaneseq.u32;
	s18 =	simm.s32 $0x6100;
	s20 =	simm.s32 $0x7100;
	[dreg:$0xe] =	wrdreg s26  }
0x18: {  	vm0 =	vmmov $0xffff;
	v1 =	vshrl.u32 v2, $0x3;
	s25 =	simm.s32 $0xB100;
	[dreg:$0xf] =	wrdreg s28;
	s19 =	simm.s32 $0x6900  }
0x19: {  	v0 =	vand.u32 $0x7, v2;
	v2 =	vor.u32 $0x8, v2;
	v1 =	vmul.u32 $0x8, v1;
	s21 =	simm.s32 $0x7900;
	s23 =	simm.s32 $0x9100;
	s24 =	simm.s32 $0xA900  }
.LBB2_1:
0x1a: {  	s26 =	rddreg [dreg:$0x8]  }
0x1b: {  	[tilespmem:s2], [sflag:$0x4] =	stream.linear.gather [hbm4b:s26+s2], $0x80, $0x38;
	[tilespmem:$0x15100] =	vst v63  }
0x1c: {  	_ =	swait.ge [sflag:s8], $0x80  }
0x1d: {  	s28 =	simm.s32 $0x10100;
	[sflag:s8] =	ssyncset.done $0x0  }
0x1e: {  	s0 =	simm.s32 $0x80;
	s1 =	rddreg [dreg:$0x6];
	[sflag:s8] =	ssyncadd.s32 $0xFFFFFF80  }
0x1f: {  	[tilespmem:s28], [sflag:$0x3] =	stream.indirect.gather [hbm4b:s1+s0], $0x80, s2, s0, $0xb8;
	[tilespmem:$0x15100] =	vst v63  }
0x20: {  	s1 =	simm.s32 $0x3  }
0x21: {  	_ =	swait.ge [sflag:s1], $0x4000  }
0x22: {  	[sflag:s1] =	ssyncset.done $0x0  }
0x23: {  	s9 =	rddreg [dreg:$0x9];
	[sflag:s1] =	ssyncadd.s32 $0xFFFFC000  }
0x24: {  	[hbm4b:s9+s2] =	stream.linear.scatter [tilespmem:s28], [sflag:$0x4], $0x4000, $0x38;
	[tilespmem:$0x15100] =	vst v63  }
0x25: {  	_ =	swait.ge [sflag:s8], $0x4000  }
0x26: {  	[sflag:s8] =	ssyncset.done $0x0  }
0x27: {  	s29 =	rddreg [dreg:$0xa];
	[sflag:s8] =	ssyncadd.s32 $0xFFFFC000  }
0x28: {  	[tilespmem:s0], [sflag:$0x4] =	stream.linear.gather [hbm4b:s29+s2], $0x80, $0x38;
	[tilespmem:$0x15100] =	vst v63  }
0x29: {  	_ =	swait.ge [sflag:s8], $0x80  }
0x2a: {  	s26 =	rddreg [dreg:$0x7];
	[sflag:s8] =	ssyncset.done $0x0  }
0x2b: {  	s29 =	simm.s32 $0x14100;
	s9 =	rddreg [dreg:$0x10];
	[sflag:s8] =	ssyncadd.s32 $0xFFFFFF80  }
0x2c: {  	[tilespmem:s29], [sflag:$0x3] =	stream.indirect.gather [hbm4b:s26+s9], $0x80, s0, s9, $0xb8;
	[tilespmem:$0x15100] =	vst v63  }
0x2d: {  	_ =	swait.ge [sflag:s1], $0x1000  }
0x2e: {  	[sflag:s1] =	ssyncset.done $0x0  }
0x2f: {  	s9 =	rddreg [dreg:$0xb];
	[sflag:s1] =	ssyncadd.s32 $0xFFFFF000  }
0x30: {  	[hbm4b:s9+s2] =	stream.linear.scatter [tilespmem:s29], [sflag:$0x4], $0x1000, $0x38;
	[tilespmem:$0x15100] =	vst v63  }
0x31: {  	_ =	swait.ge [sflag:s8], $0x1000  }
0x32: {  	[sflag:s8] =	ssyncset.done $0x0  }
0x33: {  	[sflag:s8] =	ssyncadd.s32 $0xFFFFF000  }
0x34: {  	v3 =	vld [tilespmem:$0x0];
	_ =	sdelay $0x4  }
0x35: {  	v4 =	vshll.u32 v3, $0x3  }
0x36: {  	v3 =	vand.u32 $0x7, v3;
	v4 =	vand.u32 $0xFFFFFFC0, v4  }
0x37: {  	v3 =	vor.u32 v3, v4  }
0x38: {  	v4 =	vperm.xlane v3, v0;
	_ =	sdelay $0x1  }
0x39: {  	v4 =	vadd.s32 v1, v4;
	_ =	sdelay $0x4  }
0x3a: {  	[tilespmem:s30], [sflag:$0x1] =	stream.indirect_vreg.gather [hbm4b:s3+s2], $0x80, v4, vm0, $0xb8;
	[tilespmem:$0x15100] =	vst v63  }
0x3b: {  	s28 =	simm.s32 $0x900;
	v3 =	vperm.xlane v3, v2  }
0x3c: {  	[tilespmem:s28], [sflag:$0x1] =	stream.indirect_vreg.gather [hbm4b:s4+s2], $0x80, v4, vm0, $0xb8;
	[tilespmem:$0x15100] =	vst v63  }
0x3d: {  	s29 =	simm.s32 $0x1100;
	v3 =	vadd.s32 v1, v3  }
0x3e: {  	[tilespmem:s29], [sflag:$0x1] =	stream.indirect_vreg.gather [hbm4b:s5+s2], $0x80, v4, vm0, $0xb8;
	[tilespmem:$0x15100] =	vst v63  }
0x3f: {  	_ = 	snop  }
0x40: {  	[tilespmem:s31], [sflag:$0x1] =	stream.indirect_vreg.gather [hbm4b:s6+s2], $0x80, v4, vm0, $0xb8;
	[tilespmem:$0x15100] =	vst v63  }
0x41: {  	s1 =	simm.s32 $0x2100  }
0x42: {  	[tilespmem:s1], [sflag:$0x1] =	stream.indirect_vreg.gather [hbm4b:s3+s2], $0x80, v3, vm0, $0xb8;
	[tilespmem:$0x15100] =	vst v63  }
0x43: {  	s9 =	simm.s32 $0x2900  }
0x44: {  	[tilespmem:s9], [sflag:$0x1] =	stream.indirect_vreg.gather [hbm4b:s4+s2], $0x80, v3, vm0, $0xb8;
	[tilespmem:$0x15100] =	vst v63  }
0x45: {  	_ = 	snop  }
0x46: {  	[tilespmem:s10], [sflag:$0x1] =	stream.indirect_vreg.gather [hbm4b:s5+s2], $0x80, v3, vm0, $0xb8;
	[tilespmem:$0x15100] =	vst v63  }
0x47: {  	_ = 	snop  }
0x48: {  	[tilespmem:s12], [sflag:$0x1] =	stream.indirect_vreg.gather [hbm4b:s6+s2], $0x80, v3, vm0, $0xb8;
	[tilespmem:$0x15100] =	vst v63  }
0x49: {  	v3 =	vld [tilespmem:$0x10];
	_ =	sdelay $0x4  }
0x4a: {  	v57 =	vshll.u32 v3, $0x3  }
0x4b: {  	v3 =	vand.u32 $0x7, v3;
	v4 =	vand.u32 $0xFFFFFFC0, v57  }
0x4c: {  	v3 =	vor.u32 v3, v4  }
0x4d: {  	v4 =	vperm.xlane v3, v0;
	_ =	sdelay $0x1  }
0x4e: {  	v4 =	vadd.s32 v1, v4;
	_ =	sdelay $0x4  }
0x4f: {  	[tilespmem:s14], [sflag:$0x1] =	stream.indirect_vreg.gather [hbm4b:s3+s2], $0x80, v4, vm0, $0xb8;
	[tilespmem:$0x15100] =	vst v63  }
0x50: {  	v3 =	vperm.xlane v3, v2  }
0x51: {  	[tilespmem:s15], [sflag:$0x1] =	stream.indirect_vreg.gather [hbm4b:s4+s2], $0x80, v4, vm0, $0xb8;
	[tilespmem:$0x15100] =	vst v63  }
0x52: {  	v3 =	vadd.s32 v1, v3  }
0x53: {  	[tilespmem:s16], [sflag:$0x1] =	stream.indirect_vreg.gather [hbm4b:s5+s2], $0x80, v4, vm0, $0xb8;
	[tilespmem:$0x15100] =	vst v63  }
0x54: {  	_ = 	snop  }
0x55: {  	[tilespmem:s17], [sflag:$0x1] =	stream.indirect_vreg.gather [hbm4b:s6+s2], $0x80, v4, vm0, $0xb8;
	[tilespmem:$0x15100] =	vst v63  }
0x56: {  	_ = 	snop  }
0x57: {  	[tilespmem:s18], [sflag:$0x1] =	stream.indirect_vreg.gather [hbm4b:s3+s2], $0x80, v3, vm0, $0xb8;
	[tilespmem:$0x15100] =	vst v63  }
0x58: {  	_ = 	snop  }
0x59: {  	[tilespmem:s19], [sflag:$0x1] =	stream.indirect_vreg.gather [hbm4b:s4+s2], $0x80, v3, vm0, $0xb8;
	[tilespmem:$0x15100] =	vst v63  }
0x5a: {  	_ = 	snop  }
0x5b: {  	[tilespmem:s20], [sflag:$0x1] =	stream.indirect_vreg.gather [hbm4b:s5+s2], $0x80, v3, vm0, $0xb8;
	[tilespmem:$0x15100] =	vst v63  }
0x5c: {  	_ = 	snop  }
0x5d: {  	[tilespmem:s21], [sflag:$0x1] =	stream.indirect_vreg.gather [hbm4b:s6+s2], $0x80, v3, vm0, $0xb8;
	[tilespmem:$0x15100] =	vst v63  }
0x5e: {  	v3 =	vld [tilespmem:$0x20];
	_ =	sdelay $0x4  }
0x5f: {  	v58 =	vshll.u32 v3, $0x3  }
0x60: {  	v3 =	vand.u32 $0x7, v3;
	v4 =	vand.u32 $0xFFFFFFC0, v58  }
0x61: {  	v3 =	vor.u32 v3, v4  }
0x62: {  	v4 =	vperm.xlane v3, v0;
	_ =	sdelay $0x1  }
0x63: {  	v4 =	vadd.s32 v1, v4;
	_ =	sdelay $0x4  }
0x64: {  	[tilespmem:s11], [sflag:$0x2] =	stream.indirect_vreg.gather [hbm4b:s3+s2], $0x80, v4, vm0, $0xb8;
	[tilespmem:$0x15100] =	vst v63  }
0x65: {  	v3 =	vperm.xlane v3, v2  }
0x66: {  	[tilespmem:s22], [sflag:$0x2] =	stream.indirect_vreg.gather [hbm4b:s4+s2], $0x80, v4, vm0, $0xb8;
	[tilespmem:$0x15100] =	vst v63  }
0x67: {  	v3 =	vadd.s32 v1, v3  }
0x68: {  	[tilespmem:s23], [sflag:$0x2] =	stream.indirect_vreg.gather [hbm4b:s5+s2], $0x80, v4, vm0, $0xb8;
	[tilespmem:$0x15100] =	vst v63  }
0x69: {  	s26 =	simm.s32 $0x9900  }
0x6a: {  	[tilespmem:s26], [sflag:$0x2] =	stream.indirect_vreg.gather [hbm4b:s6+s2], $0x80, v4, vm0, $0xb8;
	[tilespmem:$0x15100] =	vst v63  }
0x6b: {  	_ = 	snop  }
0x6c: {  	[tilespmem:s13], [sflag:$0x2] =	stream.indirect_vreg.gather [hbm4b:s3+s2], $0x80, v3, vm0, $0xb8;
	[tilespmem:$0x15100] =	vst v63  }
0x6d: {  	_ = 	snop  }
0x6e: {  	[tilespmem:s24], [sflag:$0x2] =	stream.indirect_vreg.gather [hbm4b:s4+s2], $0x80, v3, vm0, $0xb8;
	[tilespmem:$0x15100] =	vst v63  }
0x6f: {  	_ = 	snop  }
0x70: {  	[tilespmem:s25], [sflag:$0x2] =	stream.indirect_vreg.gather [hbm4b:s5+s2], $0x80, v3, vm0, $0xb8;
	[tilespmem:$0x15100] =	vst v63  }
0x71: {  	s26 =	simm.s32 $0xB900  }
0x72: {  	[tilespmem:s26], [sflag:$0x2] =	stream.indirect_vreg.gather [hbm4b:s6+s2], $0x80, v3, vm0, $0xb8;
	[tilespmem:$0x15100] =	vst v63  }
0x73: {  	v3 =	vld [tilespmem:$0x30];
	_ =	sdelay $0x4  }
0x74: {  	v59 =	vshll.u32 v3, $0x3  }
0x75: {  	v3 =	vand.u32 $0x7, v3;
	v4 =	vand.u32 $0xFFFFFFC0, v59  }
0x76: {  	v3 =	vor.u32 v3, v4  }
0x77: {  	v4 =	vperm.xlane v3, v0;
	_ =	sdelay $0x1  }
0x78: {  	v4 =	vadd.s32 v1, v4;
	_ =	sdelay $0x3  }
0x79: {  	s26 =	simm.s32 $0xC100  }
0x7a: {  	[tilespmem:s26], [sflag:$0x2] =	stream.indirect_vreg.gather [hbm4b:s3+s2], $0x80, v4, vm0, $0xb8;
	[tilespmem:$0x15100] =	vst v63  }
0x7b: {  	v3 =	vperm.xlane v3, v2;
	s26 =	simm.s32 $0xC900  }
0x7c: {  	[tilespmem:s26], [sflag:$0x2] =	stream.indirect_vreg.gather [hbm4b:s4+s2], $0x80, v4, vm0, $0xb8;
	[tilespmem:$0x15100] =	vst v63  }
0x7d: {  	v3 =	vadd.s32 v1, v3;
	s26 =	simm.s32 $0xD100  }
0x7e: {  	[tilespmem:s26], [sflag:$0x2] =	stream.indirect_vreg.gather [hbm4b:s5+s2], $0x80, v4, vm0, $0xb8;
	[tilespmem:$0x15100] =	vst v63  }
0x7f: {  	s26 =	simm.s32 $0xD900  }
0x80: {  	[tilespmem:s26], [sflag:$0x2] =	stream.indirect_vreg.gather [hbm4b:s6+s2], $0x80, v4, vm0, $0xb8;
	[tilespmem:$0x15100] =	vst v63  }
0x81: {  	s26 =	simm.s32 $0xE100  }
0x82: {  	[tilespmem:s26], [sflag:$0x2] =	stream.indirect_vreg.gather [hbm4b:s3+s2], $0x80, v3, vm0, $0xb8;
	[tilespmem:$0x15100] =	vst v63  }
0x83: {  	s26 =	simm.s32 $0xE900  }
0x84: {  	[tilespmem:s26], [sflag:$0x2] =	stream.indirect_vreg.gather [hbm4b:s4+s2], $0x80, v3, vm0, $0xb8;
	[tilespmem:$0x15100] =	vst v63  }
0x85: {  	s26 =	simm.s32 $0xF100  }
0x86: {  	[tilespmem:s26], [sflag:$0x2] =	stream.indirect_vreg.gather [hbm4b:s5+s2], $0x80, v3, vm0, $0xb8;
	[tilespmem:$0x15100] =	vst v63  }
0x87: {  	s0 =	simm.s32 $0x1;
	s26 =	simm.s32 $0xF900  }
0x88: {  	[tilespmem:s26], [sflag:$0x2] =	stream.indirect_vreg.gather [hbm4b:s6+s2], $0x80, v3, vm0, $0xb8;
	[tilespmem:$0x15100] =	vst v63  }
0x89: {  	_ =	swait.ge [sflag:s0], $0x8000  }
0x8a: {  	[sflag:s0] =	ssyncset.done $0x0  }
0x8b: {  	s26 =	rddreg [dreg:$0xc];
	[sflag:s0] =	ssyncadd.s32 $0xFFFF8000  }
0x8c: {  	[hbm4b:s26+s2] =	stream.linear.scatter [tilespmem:s30], [sflag:$0x4], $0x8000, $0x38;
	[tilespmem:$0x15100] =	vst v63  }
0x8d: {  	_ =	swait.ge [sflag:s8], $0x8000  }
0x8e: {  	[sflag:s8] =	ssyncset.done $0x0  }
0x8f: {  	[sflag:s8] =	ssyncadd.s32 $0xFFFF8000  }
0x90: {  	v3 =	vld [tilespmem:$0x40];
	_ =	sdelay $0x4  }
0x91: {  	v60 =	vshll.u32 v3, $0x3  }
0x92: {  	v3 =	vand.u32 $0x7, v3;
	v4 =	vand.u32 $0xFFFFFFC0, v60  }
0x93: {  	v3 =	vor.u32 v3, v4  }
0x94: {  	v4 =	vperm.xlane v3, v0;
	_ =	sdelay $0x1  }
0x95: {  	v4 =	vadd.s32 v1, v4;
	_ =	sdelay $0x4  }
0x96: {  	[tilespmem:s30], [sflag:$0x1] =	stream.indirect_vreg.gather [hbm4b:s3+s2], $0x80, v4, vm0, $0xb8;
	[tilespmem:$0x15100] =	vst v63  }
0x97: {  	v3 =	vperm.xlane v3, v2  }
0x98: {  	[tilespmem:s28], [sflag:$0x1] =	stream.indirect_vreg.gather [hbm4b:s4+s2], $0x80, v4, vm0, $0xb8;
	[tilespmem:$0x15100] =	vst v63  }
0x99: {  	v3 =	vadd.s32 v1, v3  }
0x9a: {  	[tilespmem:s29], [sflag:$0x1] =	stream.indirect_vreg.gather [hbm4b:s5+s2], $0x80, v4, vm0, $0xb8;
	[tilespmem:$0x15100] =	vst v63  }
0x9b: {  	_ = 	snop  }
0x9c: {  	[tilespmem:s31], [sflag:$0x1] =	stream.indirect_vreg.gather [hbm4b:s6+s2], $0x80, v4, vm0, $0xb8;
	[tilespmem:$0x15100] =	vst v63  }
0x9d: {  	_ = 	snop  }
0x9e: {  	[tilespmem:s1], [sflag:$0x1] =	stream.indirect_vreg.gather [hbm4b:s3+s2], $0x80, v3, vm0, $0xb8;
	[tilespmem:$0x15100] =	vst v63  }
0x9f: {  	_ = 	snop  }
0xa0: {  	[tilespmem:s9], [sflag:$0x1] =	stream.indirect_vreg.gather [hbm4b:s4+s2], $0x80, v3, vm0, $0xb8;
	[tilespmem:$0x15100] =	vst v63  }
0xa1: {  	_ = 	snop  }
0xa2: {  	[tilespmem:s10], [sflag:$0x1] =	stream.indirect_vreg.gather [hbm4b:s5+s2], $0x80, v3, vm0, $0xb8;
	[tilespmem:$0x15100] =	vst v63  }
0xa3: {  	_ = 	snop  }
0xa4: {  	[tilespmem:s12], [sflag:$0x1] =	stream.indirect_vreg.gather [hbm4b:s6+s2], $0x80, v3, vm0, $0xb8;
	[tilespmem:$0x15100] =	vst v63  }
0xa5: {  	v3 =	vld [tilespmem:$0x50];
	_ =	sdelay $0x4  }
0xa6: {  	v61 =	vshll.u32 v3, $0x3  }
0xa7: {  	v3 =	vand.u32 $0x7, v3;
	v4 =	vand.u32 $0xFFFFFFC0, v61  }
0xa8: {  	v3 =	vor.u32 v3, v4  }
0xa9: {  	v4 =	vperm.xlane v3, v0;
	_ =	sdelay $0x1  }
0xaa: {  	v4 =	vadd.s32 v1, v4;
	_ =	sdelay $0x4  }
0xab: {  	[tilespmem:s14], [sflag:$0x1] =	stream.indirect_vreg.gather [hbm4b:s3+s2], $0x80, v4, vm0, $0xb8;
	[tilespmem:$0x15100] =	vst v63  }
0xac: {  	v3 =	vperm.xlane v3, v2  }
0xad: {  	[tilespmem:s15], [sflag:$0x1] =	stream.indirect_vreg.gather [hbm4b:s4+s2], $0x80, v4, vm0, $0xb8;
	[tilespmem:$0x15100] =	vst v63  }
0xae: {  	v3 =	vadd.s32 v1, v3  }
0xaf: {  	[tilespmem:s16], [sflag:$0x1] =	stream.indirect_vreg.gather [hbm4b:s5+s2], $0x80, v4, vm0, $0xb8;
	[tilespmem:$0x15100] =	vst v63  }
0xb0: {  	_ = 	snop  }
0xb1: {  	[tilespmem:s17], [sflag:$0x1] =	stream.indirect_vreg.gather [hbm4b:s6+s2], $0x80, v4, vm0, $0xb8;
	[tilespmem:$0x15100] =	vst v63  }
0xb2: {  	_ = 	snop  }
0xb3: {  	[tilespmem:s18], [sflag:$0x1] =	stream.indirect_vreg.gather [hbm4b:s3+s2], $0x80, v3, vm0, $0xb8;
	[tilespmem:$0x15100] =	vst v63  }
0xb4: {  	_ = 	snop  }
0xb5: {  	[tilespmem:s19], [sflag:$0x1] =	stream.indirect_vreg.gather [hbm4b:s4+s2], $0x80, v3, vm0, $0xb8;
	[tilespmem:$0x15100] =	vst v63  }
0xb6: {  	_ = 	snop  }
0xb7: {  	[tilespmem:s20], [sflag:$0x1] =	stream.indirect_vreg.gather [hbm4b:s5+s2], $0x80, v3, vm0, $0xb8;
	[tilespmem:$0x15100] =	vst v63  }
0xb8: {  	s1 =	simm.s32 $0x2  }
0xb9: {  	[tilespmem:s21], [sflag:$0x1] =	stream.indirect_vreg.gather [hbm4b:s6+s2], $0x80, v3, vm0, $0xb8;
	[tilespmem:$0x15100] =	vst v63  }
0xba: {  	_ =	swait.ge [sflag:s1], $0x8000  }
0xbb: {  	[sflag:s1] =	ssyncset.done $0x0  }
0xbc: {  	s9 =	rddreg [dreg:$0xd];
	[sflag:s1] =	ssyncadd.s32 $0xFFFF8000  }
0xbd: {  	[hbm4b:s9+s2] =	stream.linear.scatter [tilespmem:s11], [sflag:$0x4], $0x8000, $0x38;
	[tilespmem:$0x15100] =	vst v63  }
0xbe: {  	_ =	swait.ge [sflag:s8], $0x8000  }
0xbf: {  	[sflag:s8] =	ssyncset.done $0x0  }
0xc0: {  	[sflag:s8] =	ssyncadd.s32 $0xFFFF8000  }
0xc1: {  	v3 =	vld [tilespmem:$0x60];
	_ =	sdelay $0x4  }
0xc2: {  	v62 =	vshll.u32 v3, $0x3  }
0xc3: {  	v3 =	vand.u32 $0x7, v3;
	v4 =	vand.u32 $0xFFFFFFC0, v62  }
0xc4: {  	v3 =	vor.u32 v3, v4  }
0xc5: {  	v4 =	vperm.xlane v3, v0;
	_ =	sdelay $0x1  }
0xc6: {  	v4 =	vadd.s32 v1, v4;
	_ =	sdelay $0x4  }
0xc7: {  	[tilespmem:s11], [sflag:$0x2] =	stream.indirect_vreg.gather [hbm4b:s3+s2], $0x80, v4, vm0, $0xb8;
	[tilespmem:$0x15100] =	vst v63  }
0xc8: {  	v3 =	vperm.xlane v3, v2  }
0xc9: {  	[tilespmem:s22], [sflag:$0x2] =	stream.indirect_vreg.gather [hbm4b:s4+s2], $0x80, v4, vm0, $0xb8;
	[tilespmem:$0x15100] =	vst v63  }
0xca: {  	v3 =	vadd.s32 v1, v3  }
0xcb: {  	[tilespmem:s23], [sflag:$0x2] =	stream.indirect_vreg.gather [hbm4b:s5+s2], $0x80, v4, vm0, $0xb8;
	[tilespmem:$0x15100] =	vst v63  }
0xcc: {  	s26 =	simm.s32 $0x9900  }
0xcd: {  	[tilespmem:s26], [sflag:$0x2] =	stream.indirect_vreg.gather [hbm4b:s6+s2], $0x80, v4, vm0, $0xb8;
	[tilespmem:$0x15100] =	vst v63  }
0xce: {  	_ = 	snop  }
0xcf: {  	[tilespmem:s13], [sflag:$0x2] =	stream.indirect_vreg.gather [hbm4b:s3+s2], $0x80, v3, vm0, $0xb8;
	[tilespmem:$0x15100] =	vst v63  }
0xd0: {  	_ = 	snop  }
0xd1: {  	[tilespmem:s24], [sflag:$0x2] =	stream.indirect_vreg.gather [hbm4b:s4+s2], $0x80, v3, vm0, $0xb8;
	[tilespmem:$0x15100] =	vst v63  }
0xd2: {  	_ = 	snop  }
0xd3: {  	[tilespmem:s25], [sflag:$0x2] =	stream.indirect_vreg.gather [hbm4b:s5+s2], $0x80, v3, vm0, $0xb8;
	[tilespmem:$0x15100] =	vst v63  }
0xd4: {  	s28 =	simm.s32 $0xB900  }
0xd5: {  	[tilespmem:s28], [sflag:$0x2] =	stream.indirect_vreg.gather [hbm4b:s6+s2], $0x80, v3, vm0, $0xb8;
	[tilespmem:$0x15100] =	vst v63  }
0xd6: {  	v3 =	vld [tilespmem:$0x70];
	_ =	sdelay $0x4  }
0xd7: {  	v63 =	vshll.u32 v3, $0x3  }
0xd8: {  	v3 =	vand.u32 $0x7, v3;
	v4 =	vand.u32 $0xFFFFFFC0, v63  }
0xd9: {  	v3 =	vor.u32 v3, v4  }
0xda: {  	v4 =	vperm.xlane v3, v0;
	_ =	sdelay $0x1  }
0xdb: {  	v4 =	vadd.s32 v1, v4;
	_ =	sdelay $0x3  }
0xdc: {  	s29 =	simm.s32 $0xC100  }
0xdd: {  	[tilespmem:s29], [sflag:$0x2] =	stream.indirect_vreg.gather [hbm4b:s3+s2], $0x80, v4, vm0, $0xb8;
	[tilespmem:$0x15100] =	vst v63  }
0xde: {  	s26 =	simm.s32 $0xC900;
	v3 =	vperm.xlane v3, v2  }
0xdf: {  	[tilespmem:s26], [sflag:$0x2] =	stream.indirect_vreg.gather [hbm4b:s4+s2], $0x80, v4, vm0, $0xb8;
	[tilespmem:$0x15100] =	vst v63  }
0xe0: {  	s28 =	simm.s32 $0xD100;
	v3 =	vadd.s32 v1, v3  }
0xe1: {  	[tilespmem:s28], [sflag:$0x2] =	stream.indirect_vreg.gather [hbm4b:s5+s2], $0x80, v4, vm0, $0xb8;
	[tilespmem:$0x15100] =	vst v63  }
0xe2: {  	s29 =	simm.s32 $0xD900  }
0xe3: {  	[tilespmem:s29], [sflag:$0x2] =	stream.indirect_vreg.gather [hbm4b:s6+s2], $0x80, v4, vm0, $0xb8;
	[tilespmem:$0x15100] =	vst v63  }
0xe4: {  	s26 =	simm.s32 $0xE100  }
0xe5: {  	[tilespmem:s26], [sflag:$0x2] =	stream.indirect_vreg.gather [hbm4b:s3+s2], $0x80, v3, vm0, $0xb8;
	[tilespmem:$0x15100] =	vst v63  }
0xe6: {  	s28 =	simm.s32 $0xE900  }
0xe7: {  	[tilespmem:s28], [sflag:$0x2] =	stream.indirect_vreg.gather [hbm4b:s4+s2], $0x80, v3, vm0, $0xb8;
	[tilespmem:$0x15100] =	vst v63  }
0xe8: {  	s29 =	simm.s32 $0xF100  }
0xe9: {  	[tilespmem:s29], [sflag:$0x2] =	stream.indirect_vreg.gather [hbm4b:s5+s2], $0x80, v3, vm0, $0xb8;
	[tilespmem:$0x15100] =	vst v63  }
0xea: {  	s26 =	simm.s32 $0xF900  }
0xeb: {  	[tilespmem:s26], [sflag:$0x2] =	stream.indirect_vreg.gather [hbm4b:s6+s2], $0x80, v3, vm0, $0xb8;
	[tilespmem:$0x15100] =	vst v63  }
0xec: {  	_ =	swait.ge [sflag:s0], $0x8000  }
0xed: {  	[sflag:s0] =	ssyncset.done $0x0  }
0xee: {  	s28 =	rddreg [dreg:$0xe];
	[sflag:s0] =	ssyncadd.s32 $0xFFFF8000  }
0xef: {  	[hbm4b:s28+s2] =	stream.linear.scatter [tilespmem:s30], [sflag:$0x4], $0x8000, $0x38;
	[tilespmem:$0x15100] =	vst v63  }
0xf0: {  	_ =	swait.ge [sflag:s8], $0x8000  }
0xf1: {  	[sflag:s8] =	ssyncset.done $0x0  }
0xf2: {  	[sflag:s8] =	ssyncadd.s32 $0xFFFF8000  }
0xf3: {  	_ =	swait.ge [sflag:s1], $0x8000  }
0xf4: {  	p0 =	sne.s32 s7, $0x1;
	[sflag:s1] =	ssyncset.done $0x0  }
.Ltmp0:
0xf5: {  	s29 =	rddreg [dreg:$0xf];
	[sflag:s1] =	ssyncadd.s32 $0xFFFF8000;
	(pc) =	sbr.rel @p0 .LBB2_1-.Ltmp0, $4  }
0xf6: {  	[hbm4b:s29+s2] =	stream.linear.scatter [tilespmem:s11], [sflag:$0x4], $0x8000, $0x38;
	[tilespmem:$0x15100] =	vst v63  }
0xf7: {  	_ =	swait.ge [sflag:s8], $0x8000  }
0xf8: {  	[sflag:s8] =	ssyncset.done $0x0  }
0xf9: {  	s7 =	sadd.s32 $0xFFFFFFFF, s7;
	[sflag:s8] =	ssyncadd.s32 $0xFFFF8000  }
0xfa: {  	_ =	sfence.sel $0x180000  }
0xfb: {  	[bflag:$0x0] =	sbarrier.arrive $0xFFFF  }
0xfc: {  	_ =	strace $0x90000047  }
0xfd: {  	s0 =	stileid.u32;
	[bflag:$0x2] =	sbarrier.arrive $0xFFFF  }
0xfe: {  	p0 =	sne.s32 s0, $0x0;
	s0 =	rddreg [dreg:$0x5]  }
0xff: {  	s0 =	sadd.s32 @!p0 $0x100000, s0  }
0x100: {  	[sflag:s0] =	ssyncadd.tile.s32 @!p0 $0x1;
	_ =	shalt  }
.Lfunc_end2:
_tile_overlayer_lowered:
.L_overlay_start_2:
0x101: {  	(tag) =	ssettag $0x2  }
0x102: {  	s0 =	rddreg [dreg:$0x0];
	s2 =	stileid.u32  }
0x103: {  	s1 =	rddreg [dreg:$0x1];
	p0 =	sne.s32 s2, $0x0  }
0x104: {  	s3 =	rddreg [dreg:$0x2];
	[bflag:$0x3] =	sbarrier.arrive $0xFFFF;
	s2 =	simm.s32 @!p0 $0x1C04  }
0x105: {  	[timem:s3], [sflag:s2] =	dma.local @!p0 [hbm:s0], s1  }
0x106: {  	s0 =	simm.s32 @!p0 $0x4  }
0x107: {  	_ =	swait.ge @!p0 [sflag:s0], s1  }
0x108: {  	s1 =	ssub.s32 @!p0 $0x0, s1;
	[sflag:s0] =	ssyncset.done @!p0 $0x0  }
0x109: {  	[sflag:s0] =	ssyncadd.s32 @!p0 s1  }
0x10a: {  	[bflag:$0x3] =	sbarrier.arrive $0xFFFF  }
0x10b: {  	_ =	shalt  }

</sc_bundles>
